<compile_context>
chip_gen: v7x
topology: tpu7x:2x2x1
jax: 0.10.2.dev20260603
libtpu: 0.0.44.dev20260713+nightly
codegen_flags: <defaults>
</compile_context>

<pallas_src>
import jax
import jax.numpy as jnp
from jax import lax
from jax.experimental import pallas as pl
from jax.experimental.pallas import tpu as pltpu
from jax.experimental.pallas import tpu_sc as plsc

B, P, N, C_IN, C_OUT, W, H = 2, 12000, 100, 7, 64, 504, 504
EPS = 1e-5
BP = B * P
BPP = 24576
CELLS = W * H
TOT = B * CELLS

NB = 2
NCH = N // NB
LN = P


def _tc_body(x_ref, idx_ref, w_ref, a_ref, d_ref, feat_ref, cell_ref,
             acc_ref):
    nc = pl.program_id(0)
    m = None
    for nb in range(NB):
        xb = x_ref[nb].reshape(2 * C_IN, LN)
        z = lax.dot_general(
            w_ref[...], xb, (((1,), (0,)), ((), ())),
            preferred_element_type=jnp.float32)
        m = z if m is None else jnp.maximum(m, z)

    @pl.when(nc == 0)
    def _():
        acc_ref[...] = m

    @pl.when(nc > 0)
    def _():
        acc_ref[...] = jnp.maximum(acc_ref[...], m)

    @pl.when(nc == NCH - 1)
    def _():
        feat_ref[...] = jnp.maximum(
            acc_ref[...] * a_ref[...] + d_ref[...], 0.0)

    @pl.when(nc == 0)
    def _():
        i0 = idx_ref[0:1, :]
        ix = idx_ref[1:2, :]
        iy = idx_ref[2:3, :]
        valid = (i0 != 0) | (ix != 0) | (iy != 0)
        b = lax.broadcasted_iota(jnp.int32, (1, BPP), 1) // P
        cell = jnp.where(valid, b * CELLS + ix * H + iy, -1)
        cell_ref[...] = cell.reshape(1, 1, BPP)


def _tc_stage(x_t, idx_t, w2, a2, d2):
    return pl.pallas_call(
        _tc_body,
        grid=(NCH,),
        in_specs=[
            pl.BlockSpec((NB, C_IN, 2, LN), lambda nc: (nc, 0, 0, 0)),
            pl.BlockSpec((8, BPP), lambda nc: (0, 0)),
            pl.BlockSpec((128, 2 * C_IN), lambda nc: (0, 0)),
            pl.BlockSpec((128, 1), lambda nc: (0, 0)),
            pl.BlockSpec((128, 1), lambda nc: (0, 0)),
        ],
        out_specs=[
            pl.BlockSpec((128, LN), lambda nc: (0, 0)),
            pl.BlockSpec((1, 1, BPP), lambda nc: (0, 0, 0)),
        ],
        out_shape=[
            jax.ShapeDtypeStruct((128, LN), jnp.float32),
            jax.ShapeDtypeStruct((1, 1, BPP), jnp.int32),
        ],
        scratch_shapes=[pltpu.VMEM((128, LN), jnp.float32)],
    )(x_t, idx_t, w2, a2, d2)


NW = 32
RANGE0 = 15872
SEENN = 16000
NBLK = BPP // 16
CHUNK = 128
WBUF = 16256


def _sc_body(feat_hbm, cells_hbm, img_hbm,
             cells_v, seen_v, wp_v, wc_v, wc2_v, data_v, scr16_v,
             gsem, ssem):
    info = plsc.get_sparse_core_info()
    nc = info.num_cores
    wid = lax.axis_index("s") * nc + lax.axis_index("c")
    base = wid * RANGE0
    rng = RANGE0 + jnp.where(wid == NW - 1, TOT - NW * RANGE0, 0)

    pltpu.sync_copy(cells_hbm, cells_v)

    def sb(t, _):
        seen_v[pl.ds(t * 16, 16)] = jnp.zeros((16,), jnp.int32)
        return 0
    lax.fori_loop(0, SEENN // 16, sb, 0)

    lane = lax.broadcasted_iota(jnp.int32, (16,), 0)
    ones16 = jnp.ones((16,), jnp.int32)

    def dedup(t, cnt):
        i = (NBLK - 1) - t
        cvec = cells_v[pl.ds(i * 16, 16)]
        local = cvec - base
        inm = (local >= 0) & (local < rng)
        anyin = plsc.all_reduce_population_count(inm)[0]

        def heavy(c):
            key = jnp.where(inm, local * 16 + lane, 0x7FFE0000 + lane)
            sk, sv = plsc.sort_key_val(key, lane)
            nxt = sk[jnp.minimum(lane + 1, 15)]
            islast = ((sk >> 4) != (nxt >> 4)) | (lane == 15)
            plsc.store_scatter(scr16_v, [sv], islast.astype(jnp.int32))
            won1 = inm & (scr16_v[...] != 0)
            localc = jnp.clip(local, 0, SEENN - 1)
            seen = plsc.load_gather(seen_v, [localc], mask=won1)
            won = won1 & (seen == 0)
            plsc.store_scatter(seen_v, [localc], ones16, mask=won)
            pvec = i * 16 + lane
            plsc.store_compressed(wp_v.at[pl.ds(c, 16)], pvec, mask=won)
            plsc.store_compressed(wc_v.at[pl.ds(c, 16)], cvec, mask=won)
            nw = plsc.all_reduce_population_count(won)[0]
            return c + nw

        return lax.cond(anyin > 0, heavy, lambda c: c, cnt)

    cnt = lax.fori_loop(0, NBLK, dedup, 0)

    @pl.when(cnt > 0)
    def _():
        p0 = wp_v[pl.ds(0, 16)][0]
        c0 = wc_v[pl.ds(0, 16)][0]
        t0 = cnt // 16

        def pad(k, _):
            off = (t0 + k) * 16
            m = (off + lane) >= cnt
            wp_v[pl.ds(off, 16)] = jnp.where(m, p0, wp_v[pl.ds(off, 16)])
            wc_v[pl.ds(off, 16)] = jnp.where(m, c0, wc_v[pl.ds(off, 16)])
            return 0
        lax.fori_loop(0, 9, pad, 0)

        nch = (cnt + (CHUNK - 1)) // CHUNK

        def repack(j, _):
            for k in range(CHUNK // 16):
                wc2_v[j, pl.ds(k * 16, 16)] = wc_v[
                    pl.ds(j * CHUNK + k * 16, 16)]
            return 0
        lax.fori_loop(0, nch, repack, 0)

        def chunk(j, _):
            pltpu.async_copy(
                feat_hbm.at[wp_v.at[pl.ds(j * CHUNK, CHUNK)]], data_v,
                gsem).wait()
            pltpu.async_copy(
                data_v, img_hbm.at[wc2_v.at[j]], ssem).wait()
            return 0
        lax.fori_loop(0, nch, chunk, 0)


def _sc_stage(feat, cells, img_ref):
    mesh = plsc.VectorSubcoreMesh(core_axis_name="c", subcore_axis_name="s")
    return pl.kernel(
        _sc_body,
        out_type=(),
        mesh=mesh,
        compiler_params=pltpu.CompilerParams(
            needs_layout_passes=False, use_tc_tiling_on_sc=True),
        scratch_types=[
            pltpu.VMEM((BPP,), jnp.int32),
            pltpu.VMEM((SEENN,), jnp.int32),
            pltpu.VMEM((WBUF,), jnp.int32),
            pltpu.VMEM((WBUF,), jnp.int32),
            pltpu.VMEM((WBUF // CHUNK, CHUNK), jnp.int32),
            pltpu.VMEM((CHUNK, 128), jnp.float32),
            pltpu.VMEM((16,), jnp.int32),
            pltpu.SemaphoreType.DMA,
            pltpu.SemaphoreType.DMA,
        ],
    )(feat, cells, img_ref)


def kernel(pillar_points, pillar_indices, conv_w, conv_b, bn_gamma, bn_beta,
           bn_mean, bn_var):
    a = bn_gamma * lax.rsqrt(bn_var + EPS)
    s = jnp.where(a >= 0, 1.0, -1.0)
    w2s = conv_w * s[:, None]
    w2 = jnp.zeros((2 * C_OUT, 2 * C_IN), jnp.float32)
    for bb in range(2):
        w2 = w2.at[bb * C_OUT:(bb + 1) * C_OUT, bb::2].set(w2s)
    a2 = jnp.tile(a * s, 2)[:, None]
    d2 = jnp.tile(a * (conv_b - bn_mean) + bn_beta, 2)[:, None]

    x_t = pillar_points.transpose(2, 3, 0, 1)
    idx_t = jnp.pad(
        pillar_indices.reshape(BP, 3), ((0, BPP - BP), (0, 5))).T

    feat_t, cells = _tc_stage(x_t, idx_t, w2, a2, d2)
    feat = jnp.pad(
        feat_t.reshape(2, C_OUT, P).transpose(0, 2, 1).reshape(BP, C_OUT),
        ((0, 0), (0, 64)))
    img_ref = jax.new_ref(jnp.zeros((TOT, 128), jnp.float32))
    _sc_stage(feat, cells.reshape(BPP), img_ref)
    img = img_ref[...]
    return img.reshape(B, W, H, 2 * C_OUT)[:, :, :, :C_OUT]

# --- scband reference (transcript-rebuilt; emitter-appended) ---
"""Pipeline reference for scband-pillar-feature-net-52802327937434 (READ-ONLY COPY).

The authoritative reference and input builder live on the scoring server;
editing this copy changes nothing except your own understanding.
"""

import jax, jax.numpy as jnp
import numpy as np

B, P, N, C_IN, C_OUT, W, H = 2, 12000, 100, 7, 64, 504, 504
EPS = 1e-5


def setup_inputs(seed: int = 0) -> dict:
    key = jax.random.key(seed)
    k1, k2, k3, k4, k5, k6, k7, k8 = jax.random.split(key, 8)
    pillar_points = jax.random.normal(k1, (B, P, N, C_IN), dtype=jnp.float32)
    pillar_indices = jax.random.randint(k2, (B, P, 3), 0, 504)
    conv_w = jax.random.normal(k3, (C_OUT, C_IN), dtype=jnp.float32) * 0.1
    conv_b = jax.random.normal(k4, (C_OUT,), dtype=jnp.float32) * 0.05
    bn_gamma = 1.0 + 0.1 * jax.random.normal(k5, (C_OUT,), dtype=jnp.float32)
    bn_beta = 0.1 * jax.random.normal(k6, (C_OUT,), dtype=jnp.float32)
    bn_mean = 0.1 * jax.random.normal(k7, (C_OUT,), dtype=jnp.float32)
    bn_var = jax.random.uniform(k8, (C_OUT,), dtype=jnp.float32, minval=0.5, maxval=1.5)
    return {
        "pillar_points": pillar_points,
        "pillar_indices": pillar_indices,
        "conv_w": conv_w,
        "conv_b": conv_b,
        "bn_gamma": bn_gamma,
        "bn_beta": bn_beta,
        "bn_mean": bn_mean,
        "bn_var": bn_var,
    }


def reference(pillar_points, pillar_indices, conv_w, conv_b, bn_gamma, bn_beta, bn_mean, bn_var):
    # 1x1 Conv2d(7 -> 64) over channel dim (equivalent to per-point linear)
    x = jnp.einsum("bpnc,oc->bpno", pillar_points, conv_w) + conv_b
    # BatchNorm2d in eval mode (running stats)
    x = (x - bn_mean) / jnp.sqrt(bn_var + EPS) * bn_gamma + bn_beta
    x = jax.nn.relu(x)
    # MaxPool2d((1, 100)) over the points-per-pillar dim -> [B, P, 64]
    feat = jnp.max(x, axis=2)
    # scatter_img: overwrite-scatter pillar features into the BEV pseudo image,
    # skipping pillars whose index triple is all-zero (padding pillars).
    ix = pillar_indices[..., 1]
    iy = pillar_indices[..., 2]
    valid = jnp.any(pillar_indices != 0, axis=-1)
    # route invalid (padding) pillars to an extra sentinel row W, then slice it off
    ix_r = jnp.where(valid, ix, W)
    bidx = jnp.broadcast_to(jnp.arange(B)[:, None], (B, P))
    img = jnp.zeros((B, W + 1, H, C_OUT), dtype=jnp.float32)
    img = img.at[bidx, ix_r, iy].set(feat)
    pseudo_img = img[:, :W, :, :]
    return pseudo_img

if __name__ == "__main__":
    import jax
    _d = setup_inputs()
    print(jax.jit(kernel)(*tuple(_d.values())))

</pallas_src>

<mosaic_0001>
#map = affine_map<(d0, d1) -> (0, 0)>
#map1 = affine_map<(d0, d1) -> (0)>
module attributes {stable_mosaic.version = 14 : i64} {
  func.func @new_body(%arg0: i32, %arg1: i32, %arg2: memref<24000x128xf32, #tpu.memory_space<hbm>>, %arg3: memref<24576xi32, #tpu.memory_space<hbm>>, %arg4: memref<508032x128xf32, #tpu.memory_space<hbm>>, %arg5: memref<508032x128xf32, #tpu.memory_space<hbm>>, %arg6: memref<24576xi32, #tpu.memory_space<vmem>>, %arg7: memref<16000xi32, #tpu.memory_space<vmem>>, %arg8: memref<16256xi32, #tpu.memory_space<vmem>>, %arg9: memref<16256xi32, #tpu.memory_space<vmem>>, %arg10: memref<127x128xi32, #tpu.memory_space<vmem>>, %arg11: memref<128x128xf32, #tpu.memory_space<vmem>>, %arg12: memref<16xi32, #tpu.memory_space<vmem>>, %arg13: memref<!tpu.dma_semaphore, #tpu.memory_space<semaphore_mem>>, %arg14: memref<!tpu.dma_semaphore, #tpu.memory_space<semaphore_mem>>) attributes {dimension_semantics = [#tpu.dimension_semantics<core_parallel>, #tpu.dimension_semantics<subcore_parallel>], iteration_bounds = array<i64: 2, 16>, scalar_prefetch = 0 : i64, scratch_operands = 9 : i64, tpu.core_type = #tpu.core_type<sc_vector_subcore>, window_params = [{transform_indices = #map}, {transform_indices = #map1}, {transform_indices = #map}, {transform_indices = #map}]} {
    %mul3A = arith.constant 2 : i32
    %mul3A_0 = arith.muli %arg1, %mul3A : i32
    %add3A = arith.addi %mul3A_0, %arg0 : i32
    %mul3A_1 = arith.constant 15872 : i32
    %mul3A_2 = arith.muli %add3A, %mul3A_1 : i32
    %eq3A = arith.constant 31 : i32
    %eq3A_3 = arith.cmpi eq, %add3A, %eq3A : i32
    %jit3A = arith.constant 128 : i32
    %jit3A_4 = arith.constant 0 : i32
    %select_n3A = arith.select %eq3A_3, %jit3A, %jit3A_4 : i32
    %add3A_5 = arith.constant 15872 : i32
    %add3A_6 = arith.addi %add3A_5, %select_n3A : i32
    "tpu.region"() ({
      %run_scoped3A = tpu.sem_alloc : memref<!tpu.dma_semaphore, #tpu.memory_space<semaphore_mem>>
      tpu.enqueue_dma source(%arg3 : memref<24576xi32, #tpu.memory_space<hbm>>) target(%arg6 : memref<24576xi32, #tpu.memory_space<vmem>>) target_semaphore(%run_scoped3A : memref<!tpu.dma_semaphore, #tpu.memory_space<semaphore_mem>>)
      tpu.wait_dma2 semaphore(%run_scoped3A : memref<!tpu.dma_semaphore, #tpu.memory_space<semaphore_mem>>) src(%arg3 : memref<24576xi32, #tpu.memory_space<hbm>>) dst(%arg6 : memref<24576xi32, #tpu.memory_space<vmem>>)
      tpu.yield
    }) : () -> ()
    %scan3A = arith.constant 0 : i32
    %scan3A_7 = arith.constant 0 : i32
    %scan3A_8 = arith.constant 1000 : i32
    %scan3A_9 = arith.addi %scan3A_7, %scan3A_8 : i32
    %scan3A_10 = arith.constant 1 : i32
    %scan3A_11 = scf.for %scan3A_23 = %scan3A_7 to %scan3A_9 step %scan3A_10 iter_args(%scan3A_24 = %scan3A) -> (i32)  : i32 {
      %broadcast_in_dim3A_25 = arith.constant 0 : i32
      %broadcast_in_dim3A_26 = vector.broadcast %broadcast_in_dim3A_25 : i32 to vector<16xi32>
      %mul3A_27 = arith.constant 16 : i32
      %mul3A_28 = arith.muli %scan3A_23, %mul3A_27 : i32
      %swap3A = arith.index_cast %mul3A_28 : i32 to index
      %swap3A_29 = tpu.vector_load %arg7[%swap3A] {strides = array<i32>} : memref<16000xi32, #tpu.memory_space<vmem>>, vector<16xi32>,
      tpu.vector_store %arg7[%swap3A], %broadcast_in_dim3A_26 {strides = array<i32>} : memref<16000xi32, #tpu.memory_space<vmem>>, vector<16xi32>,
      %scan3A_30 = arith.constant 0 : i32
      scf.yield %scan3A_30 : i32
    }
    %scan3A_12 = arith.constant 1000 : i32
    %iota3A = tpu.iota {dimensions = array<i32: 0>} : vector<16xi32>
    %broadcast_in_dim3A = arith.constant 1 : i32
    %broadcast_in_dim3A_13 = vector.broadcast %broadcast_in_dim3A : i32 to vector<16xi32>
    %scan3A_14 = arith.constant 0 : i32
    %scan3A_15 = arith.constant 0 : i32
    %scan3A_16 = arith.constant 1536 : i32
    %scan3A_17 = arith.addi %scan3A_15, %scan3A_16 : i32
    %scan3A_18 = arith.constant 1 : i32
    %scan3A_19 = scf.for %scan3A_23 = %scan3A_15 to %scan3A_17 step %scan3A_18 iter_args(%scan3A_24 = %scan3A_14) -> (i32)  : i32 {
      %sub3A = arith.constant 1535 : i32
      %sub3A_25 = arith.subi %sub3A, %scan3A_23 : i32
      %mul3A_26 = arith.constant 16 : i32
      %mul3A_27 = arith.muli %sub3A_25, %mul3A_26 : i32
      %get3A = arith.index_cast %mul3A_27 : i32 to index
      %get3A_28 = tpu.vector_load %arg6[%get3A] {strides = array<i32>} : memref<24576xi32, #tpu.memory_space<vmem>>, vector<16xi32>,
      %sub3A_29 = vector.broadcast %mul3A_2 : i32 to vector<16xi32>
      %sub3A_30 = arith.subi %get3A_28, %sub3A_29 : vector<16xi32>
      %ge3A = arith.constant 0 : i32
      %ge3A_31 = vector.broadcast %ge3A : i32 to vector<16xi32>
      %ge3A_32 = arith.cmpi sge, %sub3A_30, %ge3A_31 : vector<16xi32>
      %lt3A = vector.broadcast %add3A_6 : i32 to vector<16xi32>
      %lt3A_33 = arith.cmpi slt, %sub3A_30, %lt3A : vector<16xi32>
      %and3A = arith.andi %ge3A_32, %lt3A_33 : vector<16xi1>
      %all_reduce_population_count3A = tpu.all_reduce %and3A {dim = 0 : i64, kind = #tpu.reduction_kind<sum>} : vector<16xi1> -> vector<16xi32>
      %slice3A = vector.extract_strided_slice %all_reduce_population_count3A {offsets = [0], sizes = [1], strides = [1]} : vector<16xi32> to vector<1xi32>
      %squeeze3A = vector.extract %slice3A[0] : i32 from vector<1xi32>
      %gt3A_34 = arith.constant 0 : i32
      %gt3A_35 = arith.cmpi sgt, %squeeze3A, %gt3A_34 : i32
      %convert_element_type3A_36 = arith.extui %gt3A_35 : i1 to i32
      %cond3A_37 = arith.constant 0 : i32
      %cond3A_38 = arith.cmpi ne, %convert_element_type3A_36, %cond3A_37 : i32
      %cond3A_39 = scf.if %cond3A_38 -> (i32) {
        %mul3A_40 = arith.constant 16 : i32
        %mul3A_41 = vector.broadcast %mul3A_40 : i32 to vector<16xi32>
        %mul3A_42 = arith.muli %sub3A_30, %mul3A_41 : vector<16xi32>
        %add3A_43 = arith.addi %mul3A_42, %iota3A : vector<16xi32>
        %add3A_44 = arith.constant 2147352576 : i32
        %add3A_45 = vector.broadcast %add3A_44 : i32 to vector<16xi32>
        %add3A_46 = arith.addi %add3A_45, %iota3A : vector<16xi32>
        %select_n3A_47 = arith.select %and3A, %add3A_43, %add3A_46 : vector<16xi1>, vector<16xi32>
        %masked_sort3A = arith.constant dense<true> : vector<16xi1>
        %masked_sort3A_48 = arith.constant -2147483648 : i32
        %masked_sort3A_49 = vector.broadcast %masked_sort3A_48 : i32 to vector<16xi32>
        %masked_sort3A_50 = arith.xori %select_n3A_47, %masked_sort3A_49 : vector<16xi32>
        %masked_sort3A_51, %masked_sort3A_52, %masked_sort3A_53 = tpu.sort %masked_sort3A_50, %iota3A masked %masked_sort3A : (vector<16xi32>, vector<16xi32>, vector<16xi1>) -> (vector<16xi1>, vector<16xi32>, vector<16xi32>)
        %masked_sort3A_54 = arith.xori %masked_sort3A_52, %masked_sort3A_49 : vector<16xi32>
        %add3A_55 = arith.constant 1 : i32
        %add3A_56 = vector.broadcast %add3A_55 : i32 to vector<16xi32>
        %add3A_57 = arith.addi %iota3A, %add3A_56 : vector<16xi32>
        %min3A = arith.constant 15 : i32
        %min3A_58 = vector.broadcast %min3A : i32 to vector<16xi32>
        %min3A_59 = arith.minsi %add3A_57, %min3A_58 : vector<16xi32>
        %lt3A_60 = arith.constant 0 : i32
        %lt3A_61 = vector.broadcast %lt3A_60 : i32 to vector<16xi32>
        %lt3A_62 = arith.cmpi slt, %min3A_59, %lt3A_61 : vector<16xi32>
        %add3A_63 = arith.constant 16 : i32
        %add3A_64 = vector.broadcast %add3A_63 : i32 to vector<16xi32>
        %add3A_65 = arith.addi %min3A_59, %add3A_64 : vector<16xi32>
        %select_n3A_66 = arith.select %lt3A_62, %add3A_65, %min3A_59 : vector<16xi1>, vector<16xi32>
        %broadcast_in_dim3A_67 = vector.shape_cast %select_n3A_66 : vector<16xi32> to vector<16x1xi32>
        %gather3A = vector.shape_cast %broadcast_in_dim3A_67 : vector<16x1xi32> to vector<16xi32>
        %gather3A_68 = tpu.dynamic_gather %masked_sort3A_54[%gather3A] in [0] : vector<16xi32>, vector<16xi32> -> vector<16xi32>
        %shift_right_arithmetic3A = arith.constant 4 : i32
        %shift_right_arithmetic3A_69 = vector.broadcast %shift_right_arithmetic3A : i32 to vector<16xi32>
        %shift_right_arithmetic3A_70 = arith.shrsi %masked_sort3A_54, %shift_right_arithmetic3A_69 : vector<16xi32>
        %shift_right_arithmetic3A_71 = arith.constant 4 : i32
        %shift_right_arithmetic3A_72 = vector.broadcast %shift_right_arithmetic3A_71 : i32 to vector<16xi32>
        %shift_right_arithmetic3A_73 = arith.shrsi %gather3A_68, %shift_right_arithmetic3A_72 : vector<16xi32>
        %ne3A = arith.cmpi ne, %shift_right_arithmetic3A_70, %shift_right_arithmetic3A_73 : vector<16xi32>
        %eq3A_74 = arith.constant 15 : i32
        %eq3A_75 = vector.broadcast %eq3A_74 : i32 to vector<16xi32>
        %eq3A_76 = arith.cmpi eq, %iota3A, %eq3A_75 : vector<16xi32>
        %or3A = arith.ori %ne3A, %eq3A_76 : vector<16xi1>
        %convert_element_type3A_77 = arith.extui %or3A : vector<16xi1> to vector<16xi32>
        tpu.vector_store_idx %arg12[%masked_sort3A_53], %convert_element_type3A_77 : memref<16xi32, #tpu.memory_space<vmem>>[vector<16xi32>], vector<16xi32>,
        %get3A_78 = arith.constant 0 : index
        %get3A_79 = tpu.vector_load %arg12[%get3A_78] {strides = array<i32>} : memref<16xi32, #tpu.memory_space<vmem>>, vector<16xi32>,
        %ne3A_80 = arith.constant 0 : i32
        %ne3A_81 = vector.broadcast %ne3A_80 : i32 to vector<16xi32>
        %ne3A_82 = arith.cmpi ne, %get3A_79, %ne3A_81 : vector<16xi32>
        %and3A_83 = arith.andi %and3A, %ne3A_82 : vector<16xi1>
        %jit3A_84 = arith.constant 0 : i32
        %jit3A_85 = arith.constant 15999 : i32
        %max3A = vector.broadcast %jit3A_84 : i32 to vector<16xi32>
        %max3A_86 = arith.maxsi %max3A, %sub3A_30 : vector<16xi32>
        %min3A_87 = vector.broadcast %jit3A_85 : i32 to vector<16xi32>
        %min3A_88 = arith.minsi %min3A_87, %max3A_86 : vector<16xi32>
        %gather3A_89 = tpu.vector_load_idx %arg7[%min3A_88] masked %and3A_83 : memref<16000xi32, #tpu.memory_space<vmem>>[vector<16xi32>], vector<16xi32>, vector<16xi1>
        %eq3A_90 = arith.constant 0 : i32
        %eq3A_91 = vector.broadcast %eq3A_90 : i32 to vector<16xi32>
        %eq3A_92 = arith.cmpi eq, %gather3A_89, %eq3A_91 : vector<16xi32>
        %and3A_93 = arith.andi %and3A_83, %eq3A_92 : vector<16xi1>
        tpu.vector_store_idx %arg7[%min3A_88], %broadcast_in_dim3A_13 masked %and3A_93 : memref<16000xi32, #tpu.memory_space<vmem>>[vector<16xi32>], vector<16xi32>, vector<16xi1>
        %mul3A_94 = arith.constant 16 : i32
        %mul3A_95 = arith.muli %sub3A_25, %mul3A_94 : i32
        %add3A_96 = vector.broadcast %mul3A_95 : i32 to vector<16xi32>
        %add3A_97 = arith.addi %add3A_96, %iota3A : vector<16xi32>
        %swap3A = arith.index_cast %scan3A_24 : i32 to index
        %swap3A_98 = tpu.vector_load %arg8[%swap3A] masked %and3A_93 {strides = array<i32>} : memref<16256xi32, #tpu.memory_space<vmem>>, vector<16xi32>, vector<16xi1>
        tpu.vector_store %arg8[%swap3A], %add3A_97 masked %and3A_93 {strides = array<i32>} : memref<16256xi32, #tpu.memory_space<vmem>>, vector<16xi32>, vector<16xi1>
        %swap3A_99 = arith.index_cast %scan3A_24 : i32 to index
        %swap3A_100 = tpu.vector_load %arg9[%swap3A_99] masked %and3A_93 {strides = array<i32>} : memref<16256xi32, #tpu.memory_space<vmem>>, vector<16xi32>, vector<16xi1>
        tpu.vector_store %arg9[%swap3A_99], %get3A_28 masked %and3A_93 {strides = array<i32>} : memref<16256xi32, #tpu.memory_space<vmem>>, vector<16xi32>, vector<16xi1>
        %all_reduce_population_count3A_101 = tpu.all_reduce %and3A_93 {dim = 0 : i64, kind = #tpu.reduction_kind<sum>} : vector<16xi1> -> vector<16xi32>
        %slice3A_102 = vector.extract_strided_slice %all_reduce_population_count3A_101 {offsets = [0], sizes = [1], strides = [1]} : vector<16xi32> to vector<1xi32>
        %squeeze3A_103 = vector.extract %slice3A_102[0] : i32 from vector<1xi32>
        %add3A_104 = arith.addi %scan3A_24, %squeeze3A_103 : i32
        scf.yield %add3A_104 : i32
      } else {
        scf.yield %scan3A_24 : i32
      }
      scf.yield %cond3A_39 : i32
    }
    %scan3A_20 = arith.constant 1536 : i32
    %gt3A = arith.constant 0 : i32
    %gt3A_21 = arith.cmpi sgt, %scan3A_19, %gt3A : i32
    %convert_element_type3A = arith.extui %gt3A_21 : i1 to i32
    %cond3A = arith.constant 0 : i32
    %cond3A_22 = arith.cmpi ne, %convert_element_type3A, %cond3A : i32
    scf.if %cond3A_22 {
      %get3A = arith.constant 0 : index
      %get3A_23 = tpu.vector_load %arg8[%get3A] {strides = array<i32>} : memref<16256xi32, #tpu.memory_space<vmem>>, vector<16xi32>,
      %slice3A = vector.extract_strided_slice %get3A_23 {offsets = [0], sizes = [1], strides = [1]} : vector<16xi32> to vector<1xi32>
      %squeeze3A = vector.extract %slice3A[0] : i32 from vector<1xi32>
      %get3A_24 = arith.constant 0 : index
      %get3A_25 = tpu.vector_load %arg9[%get3A_24] {strides = array<i32>} : memref<16256xi32, #tpu.memory_space<vmem>>, vector<16xi32>,
      %slice3A_26 = vector.extract_strided_slice %get3A_25 {offsets = [0], sizes = [1], strides = [1]} : vector<16xi32> to vector<1xi32>
      %squeeze3A_27 = vector.extract %slice3A_26[0] : i32 from vector<1xi32>
      %jit3A_28 = arith.constant 16 : i32
      %div3A = arith.divsi %scan3A_19, %jit3A_28 : i32
      %sign3A = arith.constant 0 : i32
      %sign3A_29 = arith.cmpi sgt, %scan3A_19, %sign3A : i32
      %sign3A_30 = arith.extui %sign3A_29 : i1 to i32
      %sign3A_31 = arith.constant 0 : i32
      %sign3A_32 = arith.cmpi slt, %scan3A_19, %sign3A_31 : i32
      %sign3A_33 = arith.extui %sign3A_32 : i1 to i32
      %sign3A_34 = arith.subi %sign3A_30, %sign3A_33 : i32
      %sign3A_35 = arith.constant 0 : i32
      %sign3A_36 = arith.cmpi sgt, %jit3A_28, %sign3A_35 : i32
      %sign3A_37 = arith.extui %sign3A_36 : i1 to i32
      %sign3A_38 = arith.constant 0 : i32
      %sign3A_39 = arith.cmpi slt, %jit3A_28, %sign3A_38 : i32
      %sign3A_40 = arith.extui %sign3A_39 : i1 to i32
      %sign3A_41 = arith.subi %sign3A_37, %sign3A_40 : i32
      %ne3A = arith.cmpi ne, %sign3A_34, %sign3A_41 : i32
      %rem3A = arith.remsi %scan3A_19, %jit3A_28 : i32
      %ne3A_42 = arith.constant 0 : i32
      %ne3A_43 = arith.cmpi ne, %rem3A, %ne3A_42 : i32
      %and3A = arith.andi %ne3A, %ne3A_43 : i1
      %sub3A = arith.constant 1 : i32
      %sub3A_44 = arith.subi %div3A, %sub3A : i32
      %select_n3A_45 = arith.select %and3A, %sub3A_44, %div3A : i32
      %scan3A_46 = arith.constant 0 : i32
      %scan3A_47 = arith.constant 0 : i32
      %scan3A_48 = arith.constant 9 : i32
      %scan3A_49 = arith.addi %scan3A_47, %scan3A_48 : i32
      %scan3A_50 = arith.constant 1 : i32
      %scan3A_51 = scf.for %scan3A_102 = %scan3A_47 to %scan3A_49 step %scan3A_50 iter_args(%scan3A_103 = %scan3A_46) -> (i32)  : i32 {
        %add3A_104 = arith.addi %select_n3A_45, %scan3A_102 : i32
        %mul3A_105 = arith.constant 16 : i32
        %mul3A_106 = arith.muli %add3A_104, %mul3A_105 : i32
        %add3A_107 = vector.broadcast %mul3A_106 : i32 to vector<16xi32>
        %add3A_108 = arith.addi %add3A_107, %iota3A : vector<16xi32>
        %ge3A = vector.broadcast %scan3A_19 : i32 to vector<16xi32>
        %ge3A_109 = arith.cmpi sge, %add3A_108, %ge3A : vector<16xi32>
        %get3A_110 = arith.index_cast %mul3A_106 : i32 to index
        %get3A_111 = tpu.vector_load %arg8[%get3A_110] {strides = array<i32>} : memref<16256xi32, #tpu.memory_space<vmem>>, vector<16xi32>,
        %broadcast_in_dim3A_112 = vector.broadcast %squeeze3A : i32 to vector<16xi32>
        %select_n3A_113 = arith.select %ge3A_109, %broadcast_in_dim3A_112, %get3A_111 : vector<16xi1>, vector<16xi32>
        %swap3A = arith.index_cast %mul3A_106 : i32 to index
        %swap3A_114 = tpu.vector_load %arg8[%swap3A] {strides = array<i32>} : memref<16256xi32, #tpu.memory_space<vmem>>, vector<16xi32>,
        tpu.vector_store %arg8[%swap3A], %select_n3A_113 {strides = array<i32>} : memref<16256xi32, #tpu.memory_space<vmem>>, vector<16xi32>,
        %get3A_115 = arith.index_cast %mul3A_106 : i32 to index
        %get3A_116 = tpu.vector_load %arg9[%get3A_115] {strides = array<i32>} : memref<16256xi32, #tpu.memory_space<vmem>>, vector<16xi32>,
        %broadcast_in_dim3A_117 = vector.broadcast %squeeze3A_27 : i32 to vector<16xi32>
        %select_n3A_118 = arith.select %ge3A_109, %broadcast_in_dim3A_117, %get3A_116 : vector<16xi1>, vector<16xi32>
        %swap3A_119 = arith.index_cast %mul3A_106 : i32 to index
        %swap3A_120 = tpu.vector_load %arg9[%swap3A_119] {strides = array<i32>} : memref<16256xi32, #tpu.memory_space<vmem>>, vector<16xi32>,
        tpu.vector_store %arg9[%swap3A_119], %select_n3A_118 {strides = array<i32>} : memref<16256xi32, #tpu.memory_space<vmem>>, vector<16xi32>,
        %scan3A_121 = arith.constant 0 : i32
        scf.yield %scan3A_121 : i32
      }
      %scan3A_52 = arith.constant 9 : i32
      %add3A_53 = arith.constant 127 : i32
      %add3A_54 = arith.addi %scan3A_19, %add3A_53 : i32
      %jit3A_55 = arith.constant 128 : i32
      %div3A_56 = arith.divsi %add3A_54, %jit3A_55 : i32
      %sign3A_57 = arith.constant 0 : i32
      %sign3A_58 = arith.cmpi sgt, %add3A_54, %sign3A_57 : i32
      %sign3A_59 = arith.extui %sign3A_58 : i1 to i32
      %sign3A_60 = arith.constant 0 : i32
      %sign3A_61 = arith.cmpi slt, %add3A_54, %sign3A_60 : i32
      %sign3A_62 = arith.extui %sign3A_61 : i1 to i32
      %sign3A_63 = arith.subi %sign3A_59, %sign3A_62 : i32
      %sign3A_64 = arith.constant 0 : i32
      %sign3A_65 = arith.cmpi sgt, %jit3A_55, %sign3A_64 : i32
      %sign3A_66 = arith.extui %sign3A_65 : i1 to i32
      %sign3A_67 = arith.constant 0 : i32
      %sign3A_68 = arith.cmpi slt, %jit3A_55, %sign3A_67 : i32
      %sign3A_69 = arith.extui %sign3A_68 : i1 to i32
      %sign3A_70 = arith.subi %sign3A_66, %sign3A_69 : i32
      %ne3A_71 = arith.cmpi ne, %sign3A_63, %sign3A_70 : i32
      %rem3A_72 = arith.remsi %add3A_54, %jit3A_55 : i32
      %ne3A_73 = arith.constant 0 : i32
      %ne3A_74 = arith.cmpi ne, %rem3A_72, %ne3A_73 : i32
      %and3A_75 = arith.andi %ne3A_71, %ne3A_74 : i1
      %sub3A_76 = arith.constant 1 : i32
      %sub3A_77 = arith.subi %div3A_56, %sub3A_76 : i32
      %select_n3A_78 = arith.select %and3A_75, %sub3A_77, %div3A_56 : i32
      %while3A = arith.constant 0 : i32
      %while3A_79 = arith.constant 0 : i32
      %while3A_80 = arith.subi %select_n3A_78, %while3A : i32
      %while3A_81 = arith.addi %while3A, %while3A_80 : i32
      %while3A_82 = arith.constant 1 : i32
      %while3A_83 = arith.divsi %while3A_80, %while3A_82 : i32
      %while3A_84 = arith.muli %while3A_83, %while3A_82 : i32
      %while3A_85 = arith.addi %while3A, %while3A_84 : i32
      %while3A_86 = arith.constant 1 : i32
      %while3A_87 = scf.for %while3A_102 = %while3A to %while3A_85 step %while3A_86 iter_args(%while3A_103 = %while3A_79) -> (i32)  : i32 {
        %mul3A_104 = arith.constant 128 : i32
        %mul3A_105 = arith.muli %while3A_102, %mul3A_104 : i32
        %add3A_106 = arith.constant 0 : i32
        %add3A_107 = arith.addi %mul3A_105, %add3A_106 : i32
        %get3A_108 = arith.index_cast %add3A_107 : i32 to index
        %get3A_109 = tpu.vector_load %arg9[%get3A_108] {strides = array<i32>} : memref<16256xi32, #tpu.memory_space<vmem>>, vector<16xi32>,
        %swap3A = arith.index_cast %while3A_102 : i32 to index
        %swap3A_110 = arith.constant 0 : index
        %swap3A_111 = tpu.vector_load %arg10[%swap3A, %swap3A_110] {strides = array<i32>} : memref<127x128xi32, #tpu.memory_space<vmem>>, vector<16xi32>,
        tpu.vector_store %arg10[%swap3A, %swap3A_110], %get3A_109 {strides = array<i32>} : memref<127x128xi32, #tpu.memory_space<vmem>>, vector<16xi32>,
        %mul3A_112 = arith.constant 128 : i32
        %mul3A_113 = arith.muli %while3A_102, %mul3A_112 : i32
        %add3A_114 = arith.constant 16 : i32
        %add3A_115 = arith.addi %mul3A_113, %add3A_114 : i32
        %get3A_116 = arith.index_cast %add3A_115 : i32 to index
        %get3A_117 = tpu.vector_load %arg9[%get3A_116] {strides = array<i32>} : memref<16256xi32, #tpu.memory_space<vmem>>, vector<16xi32>,
        %swap3A_118 = arith.index_cast %while3A_102 : i32 to index
        %swap3A_119 = arith.constant 16 : index
        %swap3A_120 = tpu.vector_load %arg10[%swap3A_118, %swap3A_119] {strides = array<i32>} : memref<127x128xi32, #tpu.memory_space<vmem>>, vector<16xi32>,
        tpu.vector_store %arg10[%swap3A_118, %swap3A_119], %get3A_117 {strides = array<i32>} : memref<127x128xi32, #tpu.memory_space<vmem>>, vector<16xi32>,
        %mul3A_121 = arith.constant 128 : i32
        %mul3A_122 = arith.muli %while3A_102, %mul3A_121 : i32
        %add3A_123 = arith.constant 32 : i32
        %add3A_124 = arith.addi %mul3A_122, %add3A_123 : i32
        %get3A_125 = arith.index_cast %add3A_124 : i32 to index
        %get3A_126 = tpu.vector_load %arg9[%get3A_125] {strides = array<i32>} : memref<16256xi32, #tpu.memory_space<vmem>>, vector<16xi32>,
        %swap3A_127 = arith.index_cast %while3A_102 : i32 to index
        %swap3A_128 = arith.constant 32 : index
        %swap3A_129 = tpu.vector_load %arg10[%swap3A_127, %swap3A_128] {strides = array<i32>} : memref<127x128xi32, #tpu.memory_space<vmem>>, vector<16xi32>,
        tpu.vector_store %arg10[%swap3A_127, %swap3A_128], %get3A_126 {strides = array<i32>} : memref<127x128xi32, #tpu.memory_space<vmem>>, vector<16xi32>,
        %mul3A_130 = arith.constant 128 : i32
        %mul3A_131 = arith.muli %while3A_102, %mul3A_130 : i32
        %add3A_132 = arith.constant 48 : i32
        %add3A_133 = arith.addi %mul3A_131, %add3A_132 : i32
        %get3A_134 = arith.index_cast %add3A_133 : i32 to index
        %get3A_135 = tpu.vector_load %arg9[%get3A_134] {strides = array<i32>} : memref<16256xi32, #tpu.memory_space<vmem>>, vector<16xi32>,
        %swap3A_136 = arith.index_cast %while3A_102 : i32 to index
        %swap3A_137 = arith.constant 48 : index
        %swap3A_138 = tpu.vector_load %arg10[%swap3A_136, %swap3A_137] {strides = array<i32>} : memref<127x128xi32, #tpu.memory_space<vmem>>, vector<16xi32>,
        tpu.vector_store %arg10[%swap3A_136, %swap3A_137], %get3A_135 {strides = array<i32>} : memref<127x128xi32, #tpu.memory_space<vmem>>, vector<16xi32>,
        %mul3A_139 = arith.constant 128 : i32
        %mul3A_140 = arith.muli %while3A_102, %mul3A_139 : i32
        %add3A_141 = arith.constant 64 : i32
        %add3A_142 = arith.addi %mul3A_140, %add3A_141 : i32
        %get3A_143 = arith.index_cast %add3A_142 : i32 to index
        %get3A_144 = tpu.vector_load %arg9[%get3A_143] {strides = array<i32>} : memref<16256xi32, #tpu.memory_space<vmem>>, vector<16xi32>,
        %swap3A_145 = arith.index_cast %while3A_102 : i32 to index
        %swap3A_146 = arith.constant 64 : index
        %swap3A_147 = tpu.vector_load %arg10[%swap3A_145, %swap3A_146] {strides = array<i32>} : memref<127x128xi32, #tpu.memory_space<vmem>>, vector<16xi32>,
        tpu.vector_store %arg10[%swap3A_145, %swap3A_146], %get3A_144 {strides = array<i32>} : memref<127x128xi32, #tpu.memory_space<vmem>>, vector<16xi32>,
        %mul3A_148 = arith.constant 128 : i32
        %mul3A_149 = arith.muli %while3A_102, %mul3A_148 : i32
        %add3A_150 = arith.constant 80 : i32
        %add3A_151 = arith.addi %mul3A_149, %add3A_150 : i32
        %get3A_152 = arith.index_cast %add3A_151 : i32 to index
        %get3A_153 = tpu.vector_load %arg9[%get3A_152] {strides = array<i32>} : memref<16256xi32, #tpu.memory_space<vmem>>, vector<16xi32>,
        %swap3A_154 = arith.index_cast %while3A_102 : i32 to index
        %swap3A_155 = arith.constant 80 : index
        %swap3A_156 = tpu.vector_load %arg10[%swap3A_154, %swap3A_155] {strides = array<i32>} : memref<127x128xi32, #tpu.memory_space<vmem>>, vector<16xi32>,
        tpu.vector_store %arg10[%swap3A_154, %swap3A_155], %get3A_153 {strides = array<i32>} : memref<127x128xi32, #tpu.memory_space<vmem>>, vector<16xi32>,
        %mul3A_157 = arith.constant 128 : i32
        %mul3A_158 = arith.muli %while3A_102, %mul3A_157 : i32
        %add3A_159 = arith.constant 96 : i32
        %add3A_160 = arith.addi %mul3A_158, %add3A_159 : i32
        %get3A_161 = arith.index_cast %add3A_160 : i32 to index
        %get3A_162 = tpu.vector_load %arg9[%get3A_161] {strides = array<i32>} : memref<16256xi32, #tpu.memory_space<vmem>>, vector<16xi32>,
        %swap3A_163 = arith.index_cast %while3A_102 : i32 to index
        %swap3A_164 = arith.constant 96 : index
        %swap3A_165 = tpu.vector_load %arg10[%swap3A_163, %swap3A_164] {strides = array<i32>} : memref<127x128xi32, #tpu.memory_space<vmem>>, vector<16xi32>,
        tpu.vector_store %arg10[%swap3A_163, %swap3A_164], %get3A_162 {strides = array<i32>} : memref<127x128xi32, #tpu.memory_space<vmem>>, vector<16xi32>,
        %mul3A_166 = arith.constant 128 : i32
        %mul3A_167 = arith.muli %while3A_102, %mul3A_166 : i32
        %add3A_168 = arith.constant 112 : i32
        %add3A_169 = arith.addi %mul3A_167, %add3A_168 : i32
        %get3A_170 = arith.index_cast %add3A_169 : i32 to index
        %get3A_171 = tpu.vector_load %arg9[%get3A_170] {strides = array<i32>} : memref<16256xi32, #tpu.memory_space<vmem>>, vector<16xi32>,
        %swap3A_172 = arith.index_cast %while3A_102 : i32 to index
        %swap3A_173 = arith.constant 112 : index
        %swap3A_174 = tpu.vector_load %arg10[%swap3A_172, %swap3A_173] {strides = array<i32>} : memref<127x128xi32, #tpu.memory_space<vmem>>, vector<16xi32>,
        tpu.vector_store %arg10[%swap3A_172, %swap3A_173], %get3A_171 {strides = array<i32>} : memref<127x128xi32, #tpu.memory_space<vmem>>, vector<16xi32>,
        %while3A_175 = arith.constant 0 : i32
        scf.yield %while3A_175 : i32
      }
      %while3A_88 = arith.constant 1 : i32
      %while3A_89 = scf.for %while3A_102 = %while3A_85 to %while3A_81 step %while3A_88 iter_args(%while3A_103 = %while3A_87) -> (i32)  : i32 {
        %mul3A_104 = arith.constant 128 : i32
        %mul3A_105 = arith.muli %while3A_102, %mul3A_104 : i32
        %add3A_106 = arith.constant 0 : i32
        %add3A_107 = arith.addi %mul3A_105, %add3A_106 : i32
        %get3A_108 = arith.index_cast %add3A_107 : i32 to index
        %get3A_109 = tpu.vector_load %arg9[%get3A_108] {strides = array<i32>} : memref<16256xi32, #tpu.memory_space<vmem>>, vector<16xi32>,
        %swap3A = arith.index_cast %while3A_102 : i32 to index
        %swap3A_110 = arith.constant 0 : index
        %swap3A_111 = tpu.vector_load %arg10[%swap3A, %swap3A_110] {strides = array<i32>} : memref<127x128xi32, #tpu.memory_space<vmem>>, vector<16xi32>,
        tpu.vector_store %arg10[%swap3A, %swap3A_110], %get3A_109 {strides = array<i32>} : memref<127x128xi32, #tpu.memory_space<vmem>>, vector<16xi32>,
        %mul3A_112 = arith.constant 128 : i32
        %mul3A_113 = arith.muli %while3A_102, %mul3A_112 : i32
        %add3A_114 = arith.constant 16 : i32
        %add3A_115 = arith.addi %mul3A_113, %add3A_114 : i32
        %get3A_116 = arith.index_cast %add3A_115 : i32 to index
        %get3A_117 = tpu.vector_load %arg9[%get3A_116] {strides = array<i32>} : memref<16256xi32, #tpu.memory_space<vmem>>, vector<16xi32>,
        %swap3A_118 = arith.index_cast %while3A_102 : i32 to index
        %swap3A_119 = arith.constant 16 : index
        %swap3A_120 = tpu.vector_load %arg10[%swap3A_118, %swap3A_119] {strides = array<i32>} : memref<127x128xi32, #tpu.memory_space<vmem>>, vector<16xi32>,
        tpu.vector_store %arg10[%swap3A_118, %swap3A_119], %get3A_117 {strides = array<i32>} : memref<127x128xi32, #tpu.memory_space<vmem>>, vector<16xi32>,
        %mul3A_121 = arith.constant 128 : i32
        %mul3A_122 = arith.muli %while3A_102, %mul3A_121 : i32
        %add3A_123 = arith.constant 32 : i32
        %add3A_124 = arith.addi %mul3A_122, %add3A_123 : i32
        %get3A_125 = arith.index_cast %add3A_124 : i32 to index
        %get3A_126 = tpu.vector_load %arg9[%get3A_125] {strides = array<i32>} : memref<16256xi32, #tpu.memory_space<vmem>>, vector<16xi32>,
        %swap3A_127 = arith.index_cast %while3A_102 : i32 to index
        %swap3A_128 = arith.constant 32 : index
        %swap3A_129 = tpu.vector_load %arg10[%swap3A_127, %swap3A_128] {strides = array<i32>} : memref<127x128xi32, #tpu.memory_space<vmem>>, vector<16xi32>,
        tpu.vector_store %arg10[%swap3A_127, %swap3A_128], %get3A_126 {strides = array<i32>} : memref<127x128xi32, #tpu.memory_space<vmem>>, vector<16xi32>,
        %mul3A_130 = arith.constant 128 : i32
        %mul3A_131 = arith.muli %while3A_102, %mul3A_130 : i32
        %add3A_132 = arith.constant 48 : i32
        %add3A_133 = arith.addi %mul3A_131, %add3A_132 : i32
        %get3A_134 = arith.index_cast %add3A_133 : i32 to index
        %get3A_135 = tpu.vector_load %arg9[%get3A_134] {strides = array<i32>} : memref<16256xi32, #tpu.memory_space<vmem>>, vector<16xi32>,
        %swap3A_136 = arith.index_cast %while3A_102 : i32 to index
        %swap3A_137 = arith.constant 48 : index
        %swap3A_138 = tpu.vector_load %arg10[%swap3A_136, %swap3A_137] {strides = array<i32>} : memref<127x128xi32, #tpu.memory_space<vmem>>, vector<16xi32>,
        tpu.vector_store %arg10[%swap3A_136, %swap3A_137], %get3A_135 {strides = array<i32>} : memref<127x128xi32, #tpu.memory_space<vmem>>, vector<16xi32>,
        %mul3A_139 = arith.constant 128 : i32
        %mul3A_140 = arith.muli %while3A_102, %mul3A_139 : i32
        %add3A_141 = arith.constant 64 : i32
        %add3A_142 = arith.addi %mul3A_140, %add3A_141 : i32
        %get3A_143 = arith.index_cast %add3A_142 : i32 to index
        %get3A_144 = tpu.vector_load %arg9[%get3A_143] {strides = array<i32>} : memref<16256xi32, #tpu.memory_space<vmem>>, vector<16xi32>,
        %swap3A_145 = arith.index_cast %while3A_102 : i32 to index
        %swap3A_146 = arith.constant 64 : index
        %swap3A_147 = tpu.vector_load %arg10[%swap3A_145, %swap3A_146] {strides = array<i32>} : memref<127x128xi32, #tpu.memory_space<vmem>>, vector<16xi32>,
        tpu.vector_store %arg10[%swap3A_145, %swap3A_146], %get3A_144 {strides = array<i32>} : memref<127x128xi32, #tpu.memory_space<vmem>>, vector<16xi32>,
        %mul3A_148 = arith.constant 128 : i32
        %mul3A_149 = arith.muli %while3A_102, %mul3A_148 : i32
        %add3A_150 = arith.constant 80 : i32
        %add3A_151 = arith.addi %mul3A_149, %add3A_150 : i32
        %get3A_152 = arith.index_cast %add3A_151 : i32 to index
        %get3A_153 = tpu.vector_load %arg9[%get3A_152] {strides = array<i32>} : memref<16256xi32, #tpu.memory_space<vmem>>, vector<16xi32>,
        %swap3A_154 = arith.index_cast %while3A_102 : i32 to index
        %swap3A_155 = arith.constant 80 : index
        %swap3A_156 = tpu.vector_load %arg10[%swap3A_154, %swap3A_155] {strides = array<i32>} : memref<127x128xi32, #tpu.memory_space<vmem>>, vector<16xi32>,
        tpu.vector_store %arg10[%swap3A_154, %swap3A_155], %get3A_153 {strides = array<i32>} : memref<127x128xi32, #tpu.memory_space<vmem>>, vector<16xi32>,
        %mul3A_157 = arith.constant 128 : i32
        %mul3A_158 = arith.muli %while3A_102, %mul3A_157 : i32
        %add3A_159 = arith.constant 96 : i32
        %add3A_160 = arith.addi %mul3A_158, %add3A_159 : i32
        %get3A_161 = arith.index_cast %add3A_160 : i32 to index
        %get3A_162 = tpu.vector_load %arg9[%get3A_161] {strides = array<i32>} : memref<16256xi32, #tpu.memory_space<vmem>>, vector<16xi32>,
        %swap3A_163 = arith.index_cast %while3A_102 : i32 to index
        %swap3A_164 = arith.constant 96 : index
        %swap3A_165 = tpu.vector_load %arg10[%swap3A_163, %swap3A_164] {strides = array<i32>} : memref<127x128xi32, #tpu.memory_space<vmem>>, vector<16xi32>,
        tpu.vector_store %arg10[%swap3A_163, %swap3A_164], %get3A_162 {strides = array<i32>} : memref<127x128xi32, #tpu.memory_space<vmem>>, vector<16xi32>,
        %mul3A_166 = arith.constant 128 : i32
        %mul3A_167 = arith.muli %while3A_102, %mul3A_166 : i32
        %add3A_168 = arith.constant 112 : i32
        %add3A_169 = arith.addi %mul3A_167, %add3A_168 : i32
        %get3A_170 = arith.index_cast %add3A_169 : i32 to index
        %get3A_171 = tpu.vector_load %arg9[%get3A_170] {strides = array<i32>} : memref<16256xi32, #tpu.memory_space<vmem>>, vector<16xi32>,
        %swap3A_172 = arith.index_cast %while3A_102 : i32 to index
        %swap3A_173 = arith.constant 112 : index
        %swap3A_174 = tpu.vector_load %arg10[%swap3A_172, %swap3A_173] {strides = array<i32>} : memref<127x128xi32, #tpu.memory_space<vmem>>, vector<16xi32>,
        tpu.vector_store %arg10[%swap3A_172, %swap3A_173], %get3A_171 {strides = array<i32>} : memref<127x128xi32, #tpu.memory_space<vmem>>, vector<16xi32>,
        %while3A_175 = arith.constant 0 : i32
        scf.yield %while3A_175 : i32
      }
      %while3A_90 = arith.constant 0 : i32
      %while3A_91 = arith.constant 0 : i32
      %while3A_92 = arith.subi %select_n3A_78, %while3A_90 : i32
      %while3A_93 = arith.addi %while3A_90, %while3A_92 : i32
      %while3A_94 = arith.constant 1 : i32
      %while3A_95 = arith.divsi %while3A_92, %while3A_94 : i32
      %while3A_96 = arith.muli %while3A_95, %while3A_94 : i32
      %while3A_97 = arith.addi %while3A_90, %while3A_96 : i32
      %while3A_98 = arith.constant 1 : i32
      %while3A_99 = scf.for %while3A_102 = %while3A_90 to %while3A_97 step %while3A_98 iter_args(%while3A_103 = %while3A_91) -> (i32)  : i32 {
        %mul3A_104 = arith.constant 128 : i32
        %mul3A_105 = arith.muli %while3A_102, %mul3A_104 : i32
        %dma_start3A = tpu.memref_slice %arg8[%mul3A_105] : memref<16256xi32, #tpu.memory_space<vmem>> -> memref<128xi32, #tpu.memory_space<vmem>>
        %dma_start3A_106 = arith.constant 0 : i32
        %dma_start3A_107 = arith.constant 0 : i32
        %dma_start3A_108 = tpu.memref_slice %arg2[%dma_start3A_106, %dma_start3A_107] : memref<24000x128xf32, #tpu.memory_space<hbm>> -> memref<24000x128xf32, #tpu.memory_space<hbm>>
        tpu.enqueue_indirect_dma source(%dma_start3A_108 : memref<24000x128xf32, #tpu.memory_space<hbm>>) target(%arg11 : memref<128x128xf32, #tpu.memory_space<vmem>>) offsets(%dma_start3A : memref<128xi32, #tpu.memory_space<vmem>>) semaphore(%arg13 : memref<!tpu.dma_semaphore, #tpu.memory_space<semaphore_mem>>)
        %dma_wait3A = tpu.memref_slice %arg8[%mul3A_105] : memref<16256xi32, #tpu.memory_space<vmem>> -> memref<128xi32, #tpu.memory_space<vmem>>
        %dma_wait3A_109 = arith.constant 0 : i32
        %dma_wait3A_110 = arith.constant 0 : i32
        %dma_wait3A_111 = tpu.memref_slice %arg2[%dma_wait3A_109, %dma_wait3A_110] : memref<24000x128xf32, #tpu.memory_space<hbm>> -> memref<24000x128xf32, #tpu.memory_space<hbm>>
        tpu.wait_indirect_dma semaphore(%arg13 : memref<!tpu.dma_semaphore, #tpu.memory_space<semaphore_mem>>) src(%dma_wait3A_111 : memref<24000x128xf32, #tpu.memory_space<hbm>>) dst(%arg11 : memref<128x128xf32, #tpu.memory_space<vmem>>)
        %dma_start3A_112 = arith.constant 0 : i32
        %dma_start3A_113 = tpu.memref_slice %arg10[%while3A_102, %dma_start3A_112] : memref<127x128xi32, #tpu.memory_space<vmem>> -> memref<1x128xi32, #tpu.memory_space<vmem>>
        %dma_start3A_114 = tpu.memref_squeeze %dma_start3A_113 : memref<1x128xi32, #tpu.memory_space<vmem>> -> memref<128xi32, #tpu.memory_space<vmem>>
        %dma_start3A_115 = arith.constant 0 : i32
        %dma_start3A_116 = arith.constant 0 : i32
        %dma_start3A_117 = tpu.memref_slice %arg4[%dma_start3A_115, %dma_start3A_116] : memref<508032x128xf32, #tpu.memory_space<hbm>> -> memref<508032x128xf32, #tpu.memory_space<hbm>>
        tpu.enqueue_indirect_dma source(%arg11 : memref<128x128xf32, #tpu.memory_space<vmem>>) target(%dma_start3A_117 : memref<508032x128xf32, #tpu.memory_space<hbm>>) offsets(%dma_start3A_114 : memref<128xi32, #tpu.memory_space<vmem>>) semaphore(%arg14 : memref<!tpu.dma_semaphore, #tpu.memory_space<semaphore_mem>>)
        %dma_wait3A_118 = arith.constant 0 : i32
        %dma_wait3A_119 = tpu.memref_slice %arg10[%while3A_102, %dma_wait3A_118] : memref<127x128xi32, #tpu.memory_space<vmem>> -> memref<1x128xi32, #tpu.memory_space<vmem>>
        %dma_wait3A_120 = tpu.memref_squeeze %dma_wait3A_119 : memref<1x128xi32, #tpu.memory_space<vmem>> -> memref<128xi32, #tpu.memory_space<vmem>>
        %dma_wait3A_121 = arith.constant 0 : i32
        %dma_wait3A_122 = arith.constant 0 : i32
        %dma_wait3A_123 = tpu.memref_slice %arg4[%dma_wait3A_121, %dma_wait3A_122] : memref<508032x128xf32, #tpu.memory_space<hbm>> -> memref<508032x128xf32, #tpu.memory_space<hbm>>
        tpu.wait_indirect_dma semaphore(%arg14 : memref<!tpu.dma_semaphore, #tpu.memory_space<semaphore_mem>>) src(%arg11 : memref<128x128xf32, #tpu.memory_space<vmem>>) dst(%dma_wait3A_123 : memref<508032x128xf32, #tpu.memory_space<hbm>>)
        %while3A_124 = arith.constant 0 : i32
        scf.yield %while3A_124 : i32
      }
      %while3A_100 = arith.constant 1 : i32
      %while3A_101 = scf.for %while3A_102 = %while3A_97 to %while3A_93 step %while3A_100 iter_args(%while3A_103 = %while3A_99) -> (i32)  : i32 {
        %mul3A_104 = arith.constant 128 : i32
        %mul3A_105 = arith.muli %while3A_102, %mul3A_104 : i32
        %dma_start3A = tpu.memref_slice %arg8[%mul3A_105] : memref<16256xi32, #tpu.memory_space<vmem>> -> memref<128xi32, #tpu.memory_space<vmem>>
        %dma_start3A_106 = arith.constant 0 : i32
        %dma_start3A_107 = arith.constant 0 : i32
        %dma_start3A_108 = tpu.memref_slice %arg2[%dma_start3A_106, %dma_start3A_107] : memref<24000x128xf32, #tpu.memory_space<hbm>> -> memref<24000x128xf32, #tpu.memory_space<hbm>>
        tpu.enqueue_indirect_dma source(%dma_start3A_108 : memref<24000x128xf32, #tpu.memory_space<hbm>>) target(%arg11 : memref<128x128xf32, #tpu.memory_space<vmem>>) offsets(%dma_start3A : memref<128xi32, #tpu.memory_space<vmem>>) semaphore(%arg13 : memref<!tpu.dma_semaphore, #tpu.memory_space<semaphore_mem>>)
        %dma_wait3A = tpu.memref_slice %arg8[%mul3A_105] : memref<16256xi32, #tpu.memory_space<vmem>> -> memref<128xi32, #tpu.memory_space<vmem>>
        %dma_wait3A_109 = arith.constant 0 : i32
        %dma_wait3A_110 = arith.constant 0 : i32
        %dma_wait3A_111 = tpu.memref_slice %arg2[%dma_wait3A_109, %dma_wait3A_110] : memref<24000x128xf32, #tpu.memory_space<hbm>> -> memref<24000x128xf32, #tpu.memory_space<hbm>>
        tpu.wait_indirect_dma semaphore(%arg13 : memref<!tpu.dma_semaphore, #tpu.memory_space<semaphore_mem>>) src(%dma_wait3A_111 : memref<24000x128xf32, #tpu.memory_space<hbm>>) dst(%arg11 : memref<128x128xf32, #tpu.memory_space<vmem>>)
        %dma_start3A_112 = arith.constant 0 : i32
        %dma_start3A_113 = tpu.memref_slice %arg10[%while3A_102, %dma_start3A_112] : memref<127x128xi32, #tpu.memory_space<vmem>> -> memref<1x128xi32, #tpu.memory_space<vmem>>
        %dma_start3A_114 = tpu.memref_squeeze %dma_start3A_113 : memref<1x128xi32, #tpu.memory_space<vmem>> -> memref<128xi32, #tpu.memory_space<vmem>>
        %dma_start3A_115 = arith.constant 0 : i32
        %dma_start3A_116 = arith.constant 0 : i32
        %dma_start3A_117 = tpu.memref_slice %arg4[%dma_start3A_115, %dma_start3A_116] : memref<508032x128xf32, #tpu.memory_space<hbm>> -> memref<508032x128xf32, #tpu.memory_space<hbm>>
        tpu.enqueue_indirect_dma source(%arg11 : memref<128x128xf32, #tpu.memory_space<vmem>>) target(%dma_start3A_117 : memref<508032x128xf32, #tpu.memory_space<hbm>>) offsets(%dma_start3A_114 : memref<128xi32, #tpu.memory_space<vmem>>) semaphore(%arg14 : memref<!tpu.dma_semaphore, #tpu.memory_space<semaphore_mem>>)
        %dma_wait3A_118 = arith.constant 0 : i32
        %dma_wait3A_119 = tpu.memref_slice %arg10[%while3A_102, %dma_wait3A_118] : memref<127x128xi32, #tpu.memory_space<vmem>> -> memref<1x128xi32, #tpu.memory_space<vmem>>
        %dma_wait3A_120 = tpu.memref_squeeze %dma_wait3A_119 : memref<1x128xi32, #tpu.memory_space<vmem>> -> memref<128xi32, #tpu.memory_space<vmem>>
        %dma_wait3A_121 = arith.constant 0 : i32
        %dma_wait3A_122 = arith.constant 0 : i32
        %dma_wait3A_123 = tpu.memref_slice %arg4[%dma_wait3A_121, %dma_wait3A_122] : memref<508032x128xf32, #tpu.memory_space<hbm>> -> memref<508032x128xf32, #tpu.memory_space<hbm>>
        tpu.wait_indirect_dma semaphore(%arg14 : memref<!tpu.dma_semaphore, #tpu.memory_space<semaphore_mem>>) src(%arg11 : memref<128x128xf32, #tpu.memory_space<vmem>>) dst(%dma_wait3A_123 : memref<508032x128xf32, #tpu.memory_space<hbm>>)
        %while3A_124 = arith.constant 0 : i32
        scf.yield %while3A_124 : i32
      }
    } else {
    }
    return
  }
}

module attributes {stable_mosaic.version = 14 : i64} {
  func.func @_tc_body(%arg0: i32, %arg1: memref<2x7x2x12000xf32, #tpu.memory_space<vmem>>, %arg2: memref<8x24576xi32, #tpu.memory_space<vmem>>, %arg3: memref<128x14xf32, #tpu.memory_space<vmem>>, %arg4: memref<128x1xf32, #tpu.memory_space<vmem>>, %arg5: memref<128x1xf32, #tpu.memory_space<vmem>>, %arg6: memref<128x12000xf32, #tpu.memory_space<vmem>>, %arg7: memref<1x1x24576xi32, #tpu.memory_space<vmem>>, %arg8: memref<128x12000xf32, #tpu.memory_space<vmem>>) attributes {dimension_semantics = [#tpu.dimension_semantics<arbitrary>], iteration_bounds = array<i64: 50>, scalar_prefetch = 0 : i64, scratch_operands = 1 : i64, tpu.core_type = #tpu.core_type<tc>, window_params = [{transform_indices = @transform_0, window_bounds = array<i64: 2, 7, 2, 12000>}, {pipeline_mode = #tpu.pipeline_mode<synchronous>, transform_indices = @transform_1, window_bounds = array<i64: 8, 24576>}, {pipeline_mode = #tpu.pipeline_mode<synchronous>, transform_indices = @transform_2, window_bounds = array<i64: 128, 14>}, {pipeline_mode = #tpu.pipeline_mode<synchronous>, transform_indices = @transform_3, window_bounds = array<i64: 128, 1>}, {pipeline_mode = #tpu.pipeline_mode<synchronous>, transform_indices = @transform_4, window_bounds = array<i64: 128, 1>}, {pipeline_mode = #tpu.pipeline_mode<synchronous>, transform_indices = @transform_5, window_bounds = array<i64: 128, 12000>}, {pipeline_mode = #tpu.pipeline_mode<synchronous>, transform_indices = @transform_6, window_bounds = array<i64: 1, 1, 24576>}]} {
    %get3A = arith.constant 0 : index
    %get3A_0 = arith.constant 0 : index
    %get3A_1 = arith.constant 0 : index
    %get3A_2 = arith.constant 0 : index
    %get3A_3 = vector.load %arg1[%get3A, %get3A_0, %get3A_1, %get3A_2] : memref<2x7x2x12000xf32, #tpu.memory_space<vmem>>, vector<1x7x2x12000xf32>
    %get3A_4 = vector.shape_cast %get3A_3 : vector<1x7x2x12000xf32> to vector<7x2x12000xf32>
    %reshape3A = vector.shape_cast %get3A_4 : vector<7x2x12000xf32> to vector<14x12000xf32>
    %get3A_5 = arith.constant 0 : index
    %get3A_6 = arith.constant 0 : index
    %get3A_7 = vector.load %arg3[%get3A_5, %get3A_6] : memref<128x14xf32, #tpu.memory_space<vmem>>, vector<128x14xf32>
    %dot_general3A = arith.constant dense<0.000000e+00> : vector<128x12000xf32>
    %dot_general3A_8 = tpu.matmul %get3A_7, %reshape3A, %dot_general3A {dimension_numbers = #tpu.dot_dimension_numbers<[1], [0], [0], [1], [0, 0, 1, 1], [], []>, transpose_lhs_hint = false} : vector<128x14xf32>, vector<14x12000xf32>, vector<128x12000xf32> -> vector<128x12000xf32>
    %get3A_9 = arith.constant 1 : index
    %get3A_10 = arith.constant 0 : index
    %get3A_11 = arith.constant 0 : index
    %get3A_12 = arith.constant 0 : index
    %get3A_13 = vector.load %arg1[%get3A_9, %get3A_10, %get3A_11, %get3A_12] : memref<2x7x2x12000xf32, #tpu.memory_space<vmem>>, vector<1x7x2x12000xf32>
    %get3A_14 = vector.shape_cast %get3A_13 : vector<1x7x2x12000xf32> to vector<7x2x12000xf32>
    %reshape3A_15 = vector.shape_cast %get3A_14 : vector<7x2x12000xf32> to vector<14x12000xf32>
    %get3A_16 = arith.constant 0 : index
    %get3A_17 = arith.constant 0 : index
    %get3A_18 = vector.load %arg3[%get3A_16, %get3A_17] : memref<128x14xf32, #tpu.memory_space<vmem>>, vector<128x14xf32>
    %dot_general3A_19 = arith.constant dense<0.000000e+00> : vector<128x12000xf32>
    %dot_general3A_20 = tpu.matmul %get3A_18, %reshape3A_15, %dot_general3A_19 {dimension_numbers = #tpu.dot_dimension_numbers<[1], [0], [0], [1], [0, 0, 1, 1], [], []>, transpose_lhs_hint = false} : vector<128x14xf32>, vector<14x12000xf32>, vector<128x12000xf32> -> vector<128x12000xf32>
    %max3A = arith.maximumf %dot_general3A_8, %dot_general3A_20 : vector<128x12000xf32>
    %eq3A = arith.constant 0 : i32
    %eq3A_21 = arith.cmpi eq, %arg0, %eq3A : i32
    %convert_element_type3A = arith.extui %eq3A_21 : i1 to i32
    %cond3A = arith.constant 0 : i32
    %cond3A_22 = arith.cmpi ne, %convert_element_type3A, %cond3A : i32
    scf.if %cond3A_22 {
      %swap3A = arith.constant 0 : index
      %swap3A_37 = arith.constant 0 : index
      %swap3A_38 = vector.load %arg8[%swap3A, %swap3A_37] : memref<128x12000xf32, #tpu.memory_space<vmem>>, vector<128x12000xf32>
      tpu.vector_store %arg8[%swap3A, %swap3A_37], %max3A {strides = array<i32>} : memref<128x12000xf32, #tpu.memory_space<vmem>>, vector<128x12000xf32>,
    } else {
    }
    %gt3A = arith.constant 0 : i32
    %gt3A_23 = arith.cmpi sgt, %arg0, %gt3A : i32
    %convert_element_type3A_24 = arith.extui %gt3A_23 : i1 to i32
    %cond3A_25 = arith.constant 0 : i32
    %cond3A_26 = arith.cmpi ne, %convert_element_type3A_24, %cond3A_25 : i32
    scf.if %cond3A_26 {
      %get3A_37 = arith.constant 0 : index
      %get3A_38 = arith.constant 0 : index
      %get3A_39 = vector.load %arg8[%get3A_37, %get3A_38] : memref<128x12000xf32, #tpu.memory_space<vmem>>, vector<128x12000xf32>
      %max3A_40 = arith.maximumf %get3A_39, %max3A : vector<128x12000xf32>
      %swap3A = arith.constant 0 : index
      %swap3A_41 = arith.constant 0 : index
      %swap3A_42 = vector.load %arg8[%swap3A, %swap3A_41] : memref<128x12000xf32, #tpu.memory_space<vmem>>, vector<128x12000xf32>
      tpu.vector_store %arg8[%swap3A, %swap3A_41], %max3A_40 {strides = array<i32>} : memref<128x12000xf32, #tpu.memory_space<vmem>>, vector<128x12000xf32>,
    } else {
    }
    %eq3A_27 = arith.constant 49 : i32
    %eq3A_28 = arith.cmpi eq, %arg0, %eq3A_27 : i32
    %convert_element_type3A_29 = arith.extui %eq3A_28 : i1 to i32
    %cond3A_30 = arith.constant 0 : i32
    %cond3A_31 = arith.cmpi ne, %convert_element_type3A_29, %cond3A_30 : i32
    scf.if %cond3A_31 {
      %get3A_37 = arith.constant 0 : index
      %get3A_38 = arith.constant 0 : index
      %get3A_39 = vector.load %arg8[%get3A_37, %get3A_38] : memref<128x12000xf32, #tpu.memory_space<vmem>>, vector<128x12000xf32>
      %get3A_40 = arith.constant 0 : index
      %get3A_41 = arith.constant 0 : index
      %get3A_42 = vector.load %arg4[%get3A_40, %get3A_41] : memref<128x1xf32, #tpu.memory_space<vmem>>, vector<128x1xf32>
      %mul3A = vector.broadcast %get3A_42 : vector<128x1xf32> to vector<128x12000xf32>
      %mul3A_43 = arith.mulf %get3A_39, %mul3A : vector<128x12000xf32>
      %get3A_44 = arith.constant 0 : index
      %get3A_45 = arith.constant 0 : index
      %get3A_46 = vector.load %arg5[%get3A_44, %get3A_45] : memref<128x1xf32, #tpu.memory_space<vmem>>, vector<128x1xf32>
      %add3A = vector.broadcast %get3A_46 : vector<128x1xf32> to vector<128x12000xf32>
      %add3A_47 = arith.addf %mul3A_43, %add3A : vector<128x12000xf32>
      %max3A_48 = arith.constant 0.000000e+00 : f32
      %max3A_49 = vector.broadcast %max3A_48 : f32 to vector<128x12000xf32>
      %max3A_50 = arith.maximumf %add3A_47, %max3A_49 : vector<128x12000xf32>
      %swap3A = arith.constant 0 : index
      %swap3A_51 = arith.constant 0 : index
      %swap3A_52 = vector.load %arg6[%swap3A, %swap3A_51] : memref<128x12000xf32, #tpu.memory_space<vmem>>, vector<128x12000xf32>
      tpu.vector_store %arg6[%swap3A, %swap3A_51], %max3A_50 {strides = array<i32>} : memref<128x12000xf32, #tpu.memory_space<vmem>>, vector<128x12000xf32>,
    } else {
    }
    %eq3A_32 = arith.constant 0 : i32
    %eq3A_33 = arith.cmpi eq, %arg0, %eq3A_32 : i32
    %convert_element_type3A_34 = arith.extui %eq3A_33 : i1 to i32
    %cond3A_35 = arith.constant 0 : i32
    %cond3A_36 = arith.cmpi ne, %convert_element_type3A_34, %cond3A_35 : i32
    scf.if %cond3A_36 {
      %get3A_37 = arith.constant 0 : index
      %get3A_38 = arith.constant 0 : index
      %get3A_39 = vector.load %arg2[%get3A_37, %get3A_38] : memref<8x24576xi32, #tpu.memory_space<vmem>>, vector<1x24576xi32>
      %get3A_40 = arith.constant 1 : index
      %get3A_41 = arith.constant 0 : index
      %get3A_42 = vector.load %arg2[%get3A_40, %get3A_41] : memref<8x24576xi32, #tpu.memory_space<vmem>>, vector<1x24576xi32>
      %get3A_43 = arith.constant 2 : index
      %get3A_44 = arith.constant 0 : index
      %get3A_45 = vector.load %arg2[%get3A_43, %get3A_44] : memref<8x24576xi32, #tpu.memory_space<vmem>>, vector<1x24576xi32>
      %ne3A = arith.constant 0 : i32
      %ne3A_46 = vector.broadcast %ne3A : i32 to vector<1x24576xi32>
      %ne3A_47 = arith.cmpi ne, %get3A_39, %ne3A_46 : vector<1x24576xi32>
      %ne3A_48 = arith.constant 0 : i32
      %ne3A_49 = vector.broadcast %ne3A_48 : i32 to vector<1x24576xi32>
      %ne3A_50 = arith.cmpi ne, %get3A_42, %ne3A_49 : vector<1x24576xi32>
      %or3A = arith.ori %ne3A_47, %ne3A_50 : vector<1x24576xi1>
      %ne3A_51 = arith.constant 0 : i32
      %ne3A_52 = vector.broadcast %ne3A_51 : i32 to vector<1x24576xi32>
      %ne3A_53 = arith.cmpi ne, %get3A_45, %ne3A_52 : vector<1x24576xi32>
      %or3A_54 = arith.ori %or3A, %ne3A_53 : vector<1x24576xi1>
      %iota3A = tpu.iota {dimensions = array<i32: 1>} : vector<1x24576xi32>
      %jit3A = arith.constant 12000 : i32
      %div3A = vector.broadcast %jit3A : i32 to vector<1x24576xi32>
      %div3A_55 = arith.divsi %iota3A, %div3A : vector<1x24576xi32>
      %sign3A = arith.constant 0 : i32
      %sign3A_56 = vector.broadcast %sign3A : i32 to vector<1x24576xi32>
      %sign3A_57 = arith.cmpi sgt, %iota3A, %sign3A_56 : vector<1x24576xi32>
      %sign3A_58 = arith.extui %sign3A_57 : vector<1x24576xi1> to vector<1x24576xi32>
      %sign3A_59 = arith.constant 0 : i32
      %sign3A_60 = vector.broadcast %sign3A_59 : i32 to vector<1x24576xi32>
      %sign3A_61 = arith.cmpi slt, %iota3A, %sign3A_60 : vector<1x24576xi32>
      %sign3A_62 = arith.extui %sign3A_61 : vector<1x24576xi1> to vector<1x24576xi32>
      %sign3A_63 = arith.subi %sign3A_58, %sign3A_62 : vector<1x24576xi32>
      %sign3A_64 = arith.constant 0 : i32
      %sign3A_65 = arith.cmpi sgt, %jit3A, %sign3A_64 : i32
      %sign3A_66 = arith.extui %sign3A_65 : i1 to i32
      %sign3A_67 = arith.constant 0 : i32
      %sign3A_68 = arith.cmpi slt, %jit3A, %sign3A_67 : i32
      %sign3A_69 = arith.extui %sign3A_68 : i1 to i32
      %sign3A_70 = arith.subi %sign3A_66, %sign3A_69 : i32
      %ne3A_71 = vector.broadcast %sign3A_70 : i32 to vector<1x24576xi32>
      %ne3A_72 = arith.cmpi ne, %sign3A_63, %ne3A_71 : vector<1x24576xi32>
      %rem3A = vector.broadcast %jit3A : i32 to vector<1x24576xi32>
      %rem3A_73 = arith.remsi %iota3A, %rem3A : vector<1x24576xi32>
      %ne3A_74 = arith.constant 0 : i32
      %ne3A_75 = vector.broadcast %ne3A_74 : i32 to vector<1x24576xi32>
      %ne3A_76 = arith.cmpi ne, %rem3A_73, %ne3A_75 : vector<1x24576xi32>
      %and3A = arith.andi %ne3A_72, %ne3A_76 : vector<1x24576xi1>
      %sub3A = arith.constant 1 : i32
      %sub3A_77 = vector.broadcast %sub3A : i32 to vector<1x24576xi32>
      %sub3A_78 = arith.subi %div3A_55, %sub3A_77 : vector<1x24576xi32>
      %select_n3A = arith.select %and3A, %sub3A_78, %div3A_55 : vector<1x24576xi1>, vector<1x24576xi32>
      %mul3A = arith.constant 254016 : i32
      %mul3A_79 = vector.broadcast %mul3A : i32 to vector<1x24576xi32>
      %mul3A_80 = arith.muli %select_n3A, %mul3A_79 : vector<1x24576xi32>
      %mul3A_81 = arith.constant 504 : i32
      %mul3A_82 = vector.broadcast %mul3A_81 : i32 to vector<1x24576xi32>
      %mul3A_83 = arith.muli %get3A_42, %mul3A_82 : vector<1x24576xi32>
      %add3A = arith.addi %mul3A_80, %mul3A_83 : vector<1x24576xi32>
      %add3A_84 = arith.addi %add3A, %get3A_45 : vector<1x24576xi32>
      %jit3A_85 = arith.constant -1 : i32
      %broadcast_in_dim3A = vector.broadcast %jit3A_85 : i32 to vector<1x24576xi32>
      %select_n3A_86 = arith.select %or3A_54, %add3A_84, %broadcast_in_dim3A : vector<1x24576xi1>, vector<1x24576xi32>
      %reshape3A_87 = vector.shape_cast %select_n3A_86 : vector<1x24576xi32> to vector<1x1x24576xi32>
      %swap3A = arith.constant 0 : index
      %swap3A_88 = arith.constant 0 : index
      %swap3A_89 = arith.constant 0 : index
      %swap3A_90 = vector.load %arg7[%swap3A, %swap3A_88, %swap3A_89] : memref<1x1x24576xi32, #tpu.memory_space<vmem>>, vector<1x1x24576xi32>
      tpu.vector_store %arg7[%swap3A, %swap3A_88, %swap3A_89], %reshape3A_87 {strides = array<i32>} : memref<1x1x24576xi32, #tpu.memory_space<vmem>>, vector<1x1x24576xi32>,
    } else {
    }
    return
  }
  func.func @transform_0(%arg0: i32) -> (i32, i32, i32, i32) {
    %c0_i32 = arith.constant 0 : i32
    %c0_i32_0 = arith.constant 0 : i32
    %c0_i32_1 = arith.constant 0 : i32
    %c0_i32_2 = arith.constant 0 : i32
    return %arg0, %c0_i32, %c0_i32_0, %c0_i32_1 : i32, i32, i32, i32
  }
  func.func @transform_1(%arg0: i32) -> (i32, i32) {
    %c0_i32 = arith.constant 0 : i32
    %c0_i32_0 = arith.constant 0 : i32
    %c0_i32_1 = arith.constant 0 : i32
    return %c0_i32, %c0_i32_0 : i32, i32
  }
  func.func @transform_2(%arg0: i32) -> (i32, i32) {
    %c0_i32 = arith.constant 0 : i32
    %c0_i32_0 = arith.constant 0 : i32
    %c0_i32_1 = arith.constant 0 : i32
    return %c0_i32, %c0_i32_0 : i32, i32
  }
  func.func @transform_3(%arg0: i32) -> (i32, i32) {
    %c0_i32 = arith.constant 0 : i32
    %c0_i32_0 = arith.constant 0 : i32
    %c0_i32_1 = arith.constant 0 : i32
    return %c0_i32, %c0_i32_0 : i32, i32
  }
  func.func @transform_4(%arg0: i32) -> (i32, i32) {
    %c0_i32 = arith.constant 0 : i32
    %c0_i32_0 = arith.constant 0 : i32
    %c0_i32_1 = arith.constant 0 : i32
    return %c0_i32, %c0_i32_0 : i32, i32
  }
  func.func @transform_5(%arg0: i32) -> (i32, i32) {
    %c0_i32 = arith.constant 0 : i32
    %c0_i32_0 = arith.constant 0 : i32
    %c0_i32_1 = arith.constant 0 : i32
    return %c0_i32, %c0_i32_0 : i32, i32
  }
  func.func @transform_6(%arg0: i32) -> (i32, i32, i32) {
    %c0_i32 = arith.constant 0 : i32
    %c0_i32_0 = arith.constant 0 : i32
    %c0_i32_1 = arith.constant 0 : i32
    %c0_i32_2 = arith.constant 0 : i32
    return %c0_i32, %c0_i32_0, %c0_i32_1 : i32, i32, i32
  }
}

</mosaic_0001>

<sc_bundles>
// kernel: kernel.4.cloned.1.call-start
scs
__scs_entry_jumppad:
0x0: {  	(pc) =	sbr.rel $0x88, $3  }
0x1: {  	(tag) =	ssettag $0x0;
	lr =	simm.s32 $0x1  }
0x2: {  	[smem:$0x3F99] =	sst lr;
	_ =	strace $0xD0000000  }
0x3: {  	_ = 	snop  }
0x4: {  	_ = 	snop  }
0x5: {  	_ = 	snop  }
0x6: {  	_ = 	snop  }
0x7: {  	_ = 	snop  }
__scs_overlays_trampoline_lowered:
0x8: {  	[smem:$0x3FA8] =	sst s0  }
0x9: {  	[smem:$0x3FA9] =	sst s1  }
0xa: {  	[smem:$0x3FAA] =	sst s2  }
0xb: {  	[smem:$0x3FAB] =	sst s3  }
0xc: {  	[smem:$0x3FAC] =	sst s4  }
0xd: {  	[smem:$0x3FAD] =	sst s5  }
0xe: {  	[smem:$0x3FAE] =	sst s6  }
0xf: {  	[smem:$0x3FAF] =	sst s7  }
0x10: {  	[smem:$0x3FB0] =	sst s8  }
0x11: {  	[smem:$0x3FB1] =	sst s9;
	s0 =	simm.s32 @!p0 $0x0  }
0x12: {  	s1 =	sld [smem:$0x3F97];
	s0 =	simm.s32 @p0 $0x1  }
0x13: {  	[smem:$0x3FB2] =	sst s0;
	s0 =	simm.s32 @!p1 $0x0  }
0x14: {  	s2 =	sld [smem:$0x3F96];
	s0 =	simm.s32 @p1 $0x1  }
0x15: {  	[smem:$0x3FB3] =	sst s0;
	s0 =	simm.s32 @!p2 $0x0  }
0x16: {  	s3 =	sld [smem:$0x3FDB];
	s0 =	simm.s32 @p2 $0x1  }
0x17: {  	s4 =	simm.s32 $0x1BF5;
	[smem:$0x3FB5] =	sst s0  }
0x18: {  	s0 =	sld [smem:$0x3F98];
	_ =	swait.ge [sflag:s4], $0x0  }
0x19: {  	s7 =	sld [smem:$0x3F99]  }
0x1a: {  	s8 =	sadd.s32 $0xFFFFE003, lr  }
0x1b: {  	s9 =	sadd.s32 $0xFFFFFEF7, lr;
	s5 =	simm.s32 $0xFFFFFFFF;
	p2 =	slt.u32 s8, $0xFFFFF086  }
0x1c: {  	p1 =	slt.u32 s9, $0xF7A;
	s5 =	simm.s32 @!p2 $0x0  }
0x1d: {  	s5 =	simm.s32 @p1 $0x1;
	p0 =	seq.s32 s7, s2  }
0x1e: {  	s7 =	smul.u32 @!p0 $0xF7A, s2;
	p2 =	seq.s32 @!p0 s5, $0x0  }
0x1f: {  	s9 =	smul.u32 $0xF7A, s1;
	s8 =	simm.s32 @!p0 $0x1BF5;
	p2 =	por !p2, p0  }
0x20: {  	[sflag:s8] =	ssyncset.s32 @!p0 $0xFFFFF086;
	s6 =	sadd.s32 @!p0 s3, s7;
	s7 =	simm.s32 @!p0 $0x108  }
0x21: {  	s3 =	sadd.s32 s3, s9;
	s6 =	sadd.s32 @!p0 $0x88, s6;
	s7 =	simm.s32 @p2 $0x1082  }
0x22: {  	[simem:s7], [sflag:s8] =	dma.local @!p0 [hbm:s6], $0xF7A  }
0x23: {  	s9 =	sor.u32 $0xD0000000, s2;
	s6 =	simm.s32 $0x108;
	_ =	swait.ge @!p0 [sflag:s8], $0x0  }
0x24: {  	s3 =	sadd.s32 $0x88, s3;
	s6 =	simm.s32 @!p1 $0x1082;
	[sflag:s4] =	ssyncset.s32 $0xFFFFF086  }
0x25: {  	[simem:s6], [sflag:s4] =	dma.local [hbm:s3], $0xF7A  }
0x26: {  	[smem:$0x3F99] =	sst s1;
	(tag) =	ssettag s2;
	_ =	strace s9  }
0x27: {  	s1 =	sld [smem:$0x3FA9]  }
0x28: {  	s2 =	sld [smem:$0x3FAA]  }
0x29: {  	s4 =	sld [smem:$0x3FAC]  }
0x2a: {  	p0 =	seq.s32 s5, $0x0;
	s5 =	sld [smem:$0x3FAD]  }
0x2b: {  	s6 =	sld [smem:$0x3FAE]  }
0x2c: {  	s7 =	sld [smem:$0x3FAF]  }
0x2d: {  	s3 =	simm.s32 $0x108;
	s8 =	sld [smem:$0x3FB0]  }
0x2e: {  	s3 =	simm.s32 @!p0 $0x1082;
	s9 =	sld [smem:$0x3FB1]  }
0x2f: {  	lr =	sadd.s32 s0, s3;
	s0 =	sld [smem:$0x3FA8]  }
0x30: {  	s3 =	sld [smem:$0x3FAB]  }
0x31: {  	[smem:$0x3FB4] =	sst s10  }
0x32: {  	s10 =	sld [smem:$0x3FB2];
	_ =	sdelay $0x3  }
0x33: {  	p0 =	seq.s32 s10, $0x1;
	s10 =	sld [smem:$0x3FB4];
	_ =	sdelay $0x3  }
0x34: {  	[smem:$0x3FB4] =	sst s10  }
0x35: {  	s10 =	sld [smem:$0x3FB3];
	_ =	sdelay $0x3  }
0x36: {  	p1 =	seq.s32 s10, $0x1;
	s10 =	sld [smem:$0x3FB4];
	_ =	sdelay $0x3  }
0x37: {  	[smem:$0x3FB4] =	sst s10  }
0x38: {  	s10 =	sld [smem:$0x3FB5]  }
0x39: {  	_ = 	snop;
	(pc) =	sbr.ind lr, $3  }
0x3a: {  	_ = 	snop  }
0x3b: {  	_ = 	snop  }
0x3c: {  	p2 =	seq.s32 s10, $0x1;
	s10 =	sld [smem:$0x3FB4]  }
0x3d: {  	_ =	shalt  }
0x3e: {  	_ =	shalt  }
0x3f: {  	_ =	shalt  }
0x40: {  	_ =	shalt  }
0x41: {  	_ =	shalt  }
0x42: {  	_ =	shalt  }
0x43: {  	_ =	shalt  }
0x44: {  	_ =	shalt  }
0x45: {  	_ =	shalt  }
0x46: {  	_ =	shalt  }
0x47: {  	_ =	shalt  }
0x48: {  	_ =	shalt  }
0x49: {  	_ =	shalt  }
0x4a: {  	_ =	shalt  }
0x4b: {  	_ =	shalt  }
0x4c: {  	_ =	shalt  }
0x4d: {  	_ =	shalt  }
0x4e: {  	_ =	shalt  }
0x4f: {  	_ =	shalt  }
0x50: {  	_ =	shalt  }
0x51: {  	_ =	shalt  }
0x52: {  	_ =	shalt  }
0x53: {  	_ =	shalt  }
0x54: {  	_ =	shalt  }
0x55: {  	_ =	shalt  }
0x56: {  	_ =	shalt  }
0x57: {  	_ =	shalt  }
0x58: {  	_ =	shalt  }
0x59: {  	_ =	shalt  }
0x5a: {  	_ =	shalt  }
0x5b: {  	_ =	shalt  }
0x5c: {  	_ =	shalt  }
0x5d: {  	_ =	shalt  }
0x5e: {  	_ =	shalt  }
0x5f: {  	_ =	shalt  }
0x60: {  	_ =	shalt  }
0x61: {  	_ =	shalt  }
0x62: {  	_ =	shalt  }
0x63: {  	_ =	shalt  }
0x64: {  	_ =	shalt  }
0x65: {  	_ =	shalt  }
0x66: {  	_ =	shalt  }
0x67: {  	_ =	shalt  }
0x68: {  	_ =	shalt  }
0x69: {  	_ =	shalt  }
0x6a: {  	_ =	shalt  }
0x6b: {  	_ =	shalt  }
0x6c: {  	_ =	shalt  }
0x6d: {  	_ =	shalt  }
0x6e: {  	_ =	shalt  }
0x6f: {  	_ =	shalt  }
0x70: {  	_ =	shalt  }
0x71: {  	_ =	shalt  }
0x72: {  	_ =	shalt  }
0x73: {  	_ =	shalt  }
0x74: {  	_ =	shalt  }
0x75: {  	_ =	shalt  }
0x76: {  	_ =	shalt  }
0x77: {  	_ =	shalt  }
0x78: {  	_ =	shalt  }
0x79: {  	_ =	shalt  }
0x7a: {  	_ =	shalt  }
0x7b: {  	_ =	shalt  }
0x7c: {  	_ =	shalt  }
0x7d: {  	_ =	shalt  }
0x7e: {  	_ =	shalt  }
0x7f: {  	_ =	shalt  }
0x80: {  	_ =	shalt  }
0x81: {  	_ =	shalt  }
0x82: {  	_ =	shalt  }
0x83: {  	_ =	shalt  }
0x84: {  	_ =	shalt  }
0x85: {  	_ =	shalt  }
0x86: {  	_ =	shalt  }
0x87: {  	_ =	shalt  }
.Lfunc_end0:
.L_simem_size_0:
called_computation.1_lowered:
.L_overlay_start_0:
0x88: {  	s2 =	sld [smem:$0x3FD9]  }
0x89: {  	s3 =	sld [smem:$0x3FFE];
	_ =	sdelay $0x1  }
0x8a: {  	s1 =	srdreg.scid  }
0x8b: {  	s0 =	sand.u32 $0x1, s1  }
0x8c: {  	s17 =	sshll.u32 s0, $0xA;
	s2 =	sadd.s32 s3, s2  }
0x8d: {  	s2 =	sadd.s32 s2, s17  }
0x8e: {  	[smem:$0x3FC0] =	sst s2  }
0x8f: {  	_ = 	snop  }
0x90: {  	s2 =	sld [smem:$0x3FD0];
	(tm) =	ssettm $0x1  }
0x91: {  	s18 =	sld [smem:$0x3FFB];
	_ =	sdelay $0x3  }
0x92: {  	_ =	strace s18  }
0x93: {  	s3 =	sld [smem:$0x3FFC];
	_ =	sdelay $0x3  }
0x94: {  	_ =	strace s3  }
0x95: {  	s3 =	sld [smem:$0x3FFD];
	_ =	sdelay $0x3  }
0x96: {  	_ =	strace s3  }
0x97: {  	_ =	strace $0x8FFFFFFF  }
0x98: {  	s19 =	sld [smem:$0x3FDB];
	_ =	sdelay $0x1  }
0x99: {  	s4 =	simm.s32 $_scs_section_size  }
0x9a: {  	s5 =	simm.s32 $_size__tile_overlayer_lowered;
	s6 =	simm.s32 $_tile_overlayer_lowered  }
0x9b: {  	s22 =	simm.s32 $0x1BFF;
	s21 =	sshll.u32 s6, $0x1;
	s3 =	sadd.s32 s4, s19  }
0x9c: {  	s7 =	simm.s32 $0x0;
	s20 =	sshll.u32 s5, $0x1;
	s5 =	sadd.s32 s21, s3  }
0x9d: {  	[timem:s7], [sflag:s22] =	dma.local [hbm:s5], s20  }
0x9e: {  	_ =	swait.ge [sflag:s22], s20  }
0x9f: {  	s4 =	ssub.s32 $0x0, s20;
	[sflag:s22] =	ssyncset.done $0x0  }
0xa0: {  	[sflag:s22] =	ssyncadd.s32 s4;
	_ =	sdelay $0x1  }
0xa1: {  	s23 =	simm.s32 $0x1B8B  }
0xa2: {  	_ =	swait.ge [sflag:s23], $0x1  }
0xa3: {  	[sflag:s23] =	ssyncset.done $0x0  }
0xa4: {  	s25 =	simm.s32 $0x1B8E;
	s24 =	sld [smem:$0x3FFE];
	[sflag:s23] =	ssyncadd.s32 $0xFFFFFFFF  }
0xa5: {  	s26 =	simm.s32 $execute0_lowered;
	[smem:$0x3FD2] =	sst s25  }
0xa6: {  	s5 =	sshll.u32 s26, $0x1;
	_ =	strace $0x80000046;
	[dreg:$0x1] =	wrdreg $0xFFFFFFFF  }
0xa7: {  	s28 =	simm.s32 $_size_execute0_lowered;
	s3 =	sadd.s32 s3, s5;
	[dreg:$0x0] =	wrdreg $0x0  }
0xa8: {  	s5 =	sshll.u32 s28, $0x1;
	[dreg:$0x2] =	wrdreg s3  }
0xa9: {  	[dreg:$0x3] =	wrdreg s5  }
0xaa: {  	[dreg:$0x4] =	wrdreg $0xC0  }
0xab: {  	_ =	task [dreg:s7], $0x5FFFF  }
0xac: {  	[dreg:$0x1] =	wrdreg $0xFFFFFFFF  }
0xad: {  	[dreg:$0x0] =	wrdreg $0x60  }
0xae: {  	[dreg:$0x2] =	wrdreg s2  }
0xaf: {  	[dreg:$0x3] =	wrdreg s24  }
0xb0: {  	[dreg:$0x4] =	wrdreg $0x9  }
0xb1: {  	_ =	task.clear_ibuf [dreg:s7], $0x5FFFF;
	_ =	strace $0x90000046  }
0xb2: {  	s29 =	simm.s32 $0x9;
	_ =	strace $0x80000048  }
0xb3: {  	_ =	swait.ge [sflag:s29], $0x1  }
0xb4: {  	[sflag:s29] =	ssyncadd.s32 $0xFFFFFFFF  }
0xb5: {  	_ =	strace $0x90000048  }
0xb6: {  	_ =	sfence  }
0xb7: {  	s30 =	sld [smem:$0x0];
	_ =	sdelay $0x2  }
0xb8: {  	s31 =	sshll.u32 s1, $0xD;
	s1 =	sshrl.u32 s1, $0x2  }
0xb9: {  	s3 =	sand.u32 $0x4000, s31;
	s1 =	sadd.s32 s1, s30  }
0xba: {  	s0 =	sor.u32 s3, s0;
	s1 =	sshll.u32 s1, $0x11  }
0xbb: {  	s0 =	sor.u32 s1, s0  }
0xbc: {  	s0 =	sadd.s32 $0x8F2B, s0  }
0xbd: {  	[sflag:s0] =	ssyncadd.remote.s32 $0x1  }
0xbe: {  	_ =	sfence.sel $0xFFFF  }
0xbf: {  	[dreg:$0x0] =	wrdreg $0xFFFFFFFF;
	(pc) =	sbr.abs _section_cstart, $3  }
0xc0: {  	[dreg:$0x1] =	wrdreg $0xFFFFFFFF  }
0xc1: {  	_ =	task.clear_ibuf [dreg:s7], $0x2FFFF;
	_ =	strace $0x9FFFFFFF  }
0xc2: {  	(tm) =	ssettm $0x7FFFFFFF  }
0xc3: {  	_ =	shalt  }
tec
execute0_lowered:
.L_overlay_start_1:
0x0: {  	(tag) =	ssettag $0x1  }
0x1: {  	s1 =	rddreg [dreg:$0x0]  }
0x2: {  	s4 =	rddreg [dreg:$0x1];
	s2 =	srdreg.scid  }
0x3: {  	s0 =	rddreg [dreg:$0x2];
	_ =	strace $0x80000047;
	s10 =	simm.s32 $0x3E80  }
0x4: {  	s9 =	simm.s32 $0x80;
	s11 =	simm.s32 $0x2;
	s12 =	simm.s32 $0x0  }
0x5: {  	s5 =	sand.u32 $0x1, s2;
	s2 =	stileid.u32;
	s3 =	sadd.s32 $0x800, s4  }
.Ltmp0:
0x6: {  	s6 =	ssub.s32 $0x2, s5;
	s8 =	sshll.u32 s2, $0x1;
	(pc) =	sbr.rel .LBB2_1-.Ltmp0, $4  }
0x7: {  	s4 =	sadd.s32 $0x1400, s4;
	s7 =	sshrl.u32 s6, $0x1;
	s5 =	sor.u32 s5, s8  }
0x8: {  	s8 =	simm.s32 $0x1;
	s31 =	smul.u32 $0xFFFFC200, s5;
	p0 =	seq.s32 s5, $0x1F  }
0x9: {  	v2 =	vimm.s32 $0x0;
	s6 =	ssub.s32 s6, s7;
	s7 =	simm.s32 $0x3;
	s10 =	simm.s32 @!p0 $0x3E00  }
0xa: {  	v3 =	vlaneseq.u32;
	s5 =	smax.u32 s6, $0x1;
	s6 =	simm.s32 $0x0;
	v0 =	vmov s31;
	v1 =	vmov s10;
	s10 =	simm.s32 $0x15D80  }
.LBB2_16:
0xb: {  	[sflag:s11] =	ssyncadd.s32 $0xFFFFC000  }
.LBB2_17:
0xc: {  	s12 =	sadd.s32 $0x1, s12  }
0xd: {  	p0 =	sne.s32 s12, s5  }
.Ltmp1:
0xe: {  	_ = 	snop;
	(pc) =	sbr.rel @!p0 .LBB2_18-.Ltmp1, $1  }
0xf: {  	_ =	sdelay $0x3  }
.LBB2_1:
0x10: {  	[tilespmem:s6], [sflag:$0x3] =	stream.linear.gather [hbm4b:s3+s6], $0x6000, $0x38;
	[tilespmem:$0x19E00] =	vst v63  }
0x11: {  	_ =	swait.ge [sflag:s7], $0x6000  }
0x12: {  	[sflag:s7] =	ssyncset.done $0x0  }
0x13: {  	s13 =	simm.s32 $0x0;
	[sflag:s7] =	ssyncadd.s32 $0xFFFFA000  }
.LBB2_2:
0x14: {  	p0 =	sne.s32 s13, $0xF9C0  }
.Ltmp2:
0x15: {  	_ = 	snop;
	(pc) =	sbr.rel @p0 .LBB2_2-.Ltmp2, $3  }
0x16: {  	_ =	sdelay $0x1  }
0x17: {  	s14 =	sshra.s32 s13, $0x2  }
0x18: {  	s13 =	sadd.s32 $0x40, s13;
	[tilespmem:s14+$0x6000] =	vst v2  }
0x19: {  	s13 =	simm.s32 $0x5FF0  }
0x1a: {  	v4 =	vld [tilespmem:s13+$0x0];
	_ =	sdelay $0x4  }
0x1b: {  	v5 =	vadd.s32 v0, v4  }
0x1c: {  	vm0 =	vgt.s32 v5, $0xFFFFFFFF;
	vm1 =	vlt.s32 v5, v1  }
0x1d: {  	vm0 =	vmand vm0, vm1  }
0x1e: {  	v6 =	vmpcnt.ones.xlane vm0;
	_ =	sdelay $0x1  }
0x1f: {  	(v2sf) =	vpush v6, $0x0;
	_ =	sdelay $0xe  }
0x20: {  	s14 =	spop (v2sf)  }
0x21: {  	p0 =	slt.s32 s14, $0x1  }
0x22: {  	v6 =	vlaneseq.u32 @!p0  }
0x23: {  	v7 =	vshll.u32 @!p0 v5, $0x4;
	v8 =	vor.u32 @!p0 $0x80000000, v6  }
0x24: {  	v7 =	vxor.u32 @!p0 v8, v7;
	v8 =	vor.u32 @!p0 $0xFFFE0000, v6  }
0x25: {  	v7 =	vsel @!p0 vm0, v7, v8  }
0x26: {  	(xrf1) =	vsort.ascd.msk.u32 @!p0 $0xffff, v7, v6;
	_ =	sdelay $0x6  }
0x27: {  	v8 =	vimm.s32 @!p0 $0x87654321  }
0x28: {  	v8 =	vunpack.c.l.s4.s8 @!p0 v8  }
0x29: {  	v7 =	vimm.s32 @!p0 $0xFFEDCBA9  }
0x2a: {  	v7 =	vunpack.c.l.s4.s8 @!p0 v7;
	v8 =	vunpack.c.0.s8.s32 @!p0 v8;
	_ =	sdelay $0x1  }
0x2b: {  	v7 =	vunpack.c.0.s8.s32 @!p0 v7;
	_ =	sdelay $0x1  }
0x2c: {  	v7 =	vcombine.low @!p0 v8, v7;
	v8, v9, _ =	vpop @!p0 (xrf1)  }
0x2d: {  	v8 =	vxor.u32 @!p0 $0x80000000, v8  }
0x2e: {  	v7 =	vperm.xlane @!p0 v8, v7;
	_ =	sdelay $0x1  }
0x2f: {  	v7 =	vxor.u32 @!p0 v8, v7  }
0x30: {  	vm2 =	vcmask @!p0 $0x3F3C;
	vm1 =	vgt.u32 @!p0 v7, $0xF  }
0x31: {  	v7 =	vimm.s32 @!p0 $0x0;
	vm1 =	vmor @!p0 vm1, vm2  }
0x32: {  	s14 =	simm.s32 @!p0 $0x19D80;
	v7 =	vsel @!p0 vm1, $0x1, v7  }
0x33: {  	[tilespmem:v9+s14+$0x0] =	vst.idx.msk @!p0 $0xffff, v7  }
0x34: {  	v7 =	vld @!p0 [tilespmem:$0x19D80];
	_ =	sdelay $0x4  }
0x35: {  	vm2 =	vgt.s32 @!p0 v5, $0x0;
	vm1 =	vne.s32 @!p0 v7, $0x0  }
0x36: {  	v5 =	vnsel @!p0 vm2, $0x0, v5;
	vm0 =	vmand @!p0 vm0, vm1  }
0x37: {  	v7 =	vmin.u32 @!p0 v5, $0x3E7F;
	_ =	sdelay $0x3  }
0x38: {  	s17 =	simm.s32 @!p0 $0x6000  }
0x39: {  	s15 =	simm.s32 $0x0;
	v6 =	vor.u32 @!p0 s13, v6;
	s14 =	simm.s32 $0x5FE0;
	v5 =	vimm.s32 @!p0 $0x1;
	v8 =	vld.idx.msk @!p0 [tilespmem:v7+s17+$0x0], vm0  }
.LBB2_4:
0x3a: {  	_ = 	snop  }
0x3b: {  	s18 =	smov.u32 s15  }
0x3c: {  	s16 =	smov.u32 s14;
	s14 =	sadd.s32 $0xFFFFFFF0, s14  }
0x3d: {  	p1 =	sne.s32 s14, $0xFFFFFFF0  }
0x3e: {  	vm1 =	veq.s32 @!p0 v8, $0x0  }
0x3f: {  	vm0 =	vmand @!p0 vm0, vm1  }
0x40: {  	v8 =	vmpcnt.ones.xlane @!p0 vm0;
	_ =	sdelay $0x1  }
0x41: {  	(v2sf) =	vpush @!p0 v8, $0x0;
	_ =	sdelay $0x2  }
0x42: {  	[tilespmem:v7+s17+$0x0] =	vst.idx.msk @!p0 vm0, v5  }
0x43: {  	[tilespmem:s15+$0x9E80] =	vst.msk @!p0 vm0, v6  }
0x44: {  	s13 =	sadd.s32 $0xFFFFFFF0, s13;
	[tilespmem:s15+$0xDE00] =	vst.msk @!p0 vm0, v4  }
0x45: {  	v4 =	vld [tilespmem:s13+$0x0];
	_ =	sdelay $0x4  }
0x46: {  	v7 =	vadd.s32 v0, v4  }
0x47: {  	vm0 =	vgt.s32 v7, $0xFFFFFFFF;
	vm1 =	vlt.s32 v7, v1  }
0x48: {  	vm0 =	vmand vm0, vm1  }
0x49: {  	v5 =	vmpcnt.ones.xlane vm0  }
0x4a: {  	s15 =	spop @!p0 (v2sf)  }
0x4b: {  	(v2sf) =	vpush v5, $0x0;
	s15 =	sadd.s32 @!p0 s18, s15  }
0x4c: {  	s15 =	smov.u32 @p0 s18;
	_ =	sdelay $0xd  }
0x4d: {  	s17 =	spop (v2sf)  }
0x4e: {  	p0 =	slt.s32 s17, $0x1  }
0x4f: {  	v8 =	vlaneseq.u32 @!p0;
	v5 =	vimm.s32 @!p0 $0x1  }
0x50: {  	v9 =	vshll.u32 @!p0 v7, $0x4;
	v10 =	vor.u32 @!p0 $0x80000000, v8;
	v6 =	vor.u32 @!p0 s16, v8  }
0x51: {  	v9 =	vxor.u32 @!p0 v10, v9;
	v10 =	vor.u32 @!p0 $0xFFFE0000, v8  }
0x52: {  	v9 =	vsel @!p0 vm0, v9, v10  }
0x53: {  	(xrf1) =	vsort.ascd.msk.u32 @!p0 $0xffff, v9, v8;
	_ =	sdelay $0x8  }
0x54: {  	v8 =	vimm.s32 @!p0 $0xFFEDCBA9;
	v9 =	vimm.s32 @!p0 $0x87654321  }
0x55: {  	v8 =	vunpack.c.l.s4.s8 @!p0 v8;
	v9 =	vunpack.c.l.s4.s8 @!p0 v9;
	_ =	sdelay $0x1  }
0x56: {  	v8 =	vunpack.c.0.s8.s32 @!p0 v8;
	v11 =	vunpack.c.0.s8.s32 @!p0 v9;
	_ =	sdelay $0x1  }
0x57: {  	v8 =	vcombine.low @!p0 v11, v8;
	v9, v10, _ =	vpop @!p0 (xrf1)  }
0x58: {  	v9 =	vxor.u32 @!p0 $0x80000000, v9  }
0x59: {  	v8 =	vperm.xlane @!p0 v9, v8;
	_ =	sdelay $0x1  }
0x5a: {  	v8 =	vxor.u32 @!p0 v9, v8  }
0x5b: {  	vm2 =	vcmask @!p0 $0x3F3C;
	vm1 =	vgt.u32 @!p0 v8, $0xF  }
0x5c: {  	v8 =	vimm.s32 @!p0 $0x0;
	vm1 =	vmor @!p0 vm1, vm2  }
0x5d: {  	s16 =	simm.s32 @!p0 $0x19D80;
	v8 =	vsel @!p0 vm1, $0x1, v8  }
0x5e: {  	[tilespmem:v10+s16+$0x0] =	vst.idx.msk @!p0 $0xffff, v8  }
0x5f: {  	v8 =	vld @!p0 [tilespmem:$0x19D80];
	_ =	sdelay $0x4  }
0x60: {  	vm2 =	vgt.s32 @!p0 v7, $0x0;
	vm1 =	vne.s32 @!p0 v8, $0x0  }
0x61: {  	v7 =	vnsel @!p0 vm2, $0x0, v7;
	vm0 =	vmand @!p0 vm0, vm1  }
0x62: {  	v7 =	vmin.u32 @!p0 v7, $0x3E7F  }
.Ltmp3:
0x63: {  	(pc) =	sbr.rel @p1 .LBB2_4-.Ltmp3, $3  }
0x64: {  	_ =	sdelay $0x1  }
0x65: {  	s17 =	simm.s32 @!p0 $0x6000  }
0x66: {  	v8 =	vld.idx.msk @!p0 [tilespmem:v7+s17+$0x0], vm0  }
0x67: {  	_ =	sdelay $0x3  }
0x68: {  	vm1 =	veq.s32 @!p0 v8, $0x0  }
0x69: {  	vm0 =	vmand @!p0 vm0, vm1  }
0x6a: {  	v8 =	vmpcnt.ones.xlane @!p0 vm0;
	_ =	sdelay $0x1  }
0x6b: {  	(v2sf) =	vpush @!p0 v8, $0x0;
	_ =	sdelay $0xe  }
0x6c: {  	s13 =	spop @!p0 (v2sf)  }
0x6d: {  	s13 =	sadd.s32 @!p0 s15, s13  }
0x6e: {  	s13 =	smov.u32 @p0 s15  }
0x6f: {  	p1 =	slt.s32 s13, $0x1  }
.Ltmp4:
0x70: {  	_ = 	snop;
	(pc) =	sbr.rel @p1 .LBB2_17-.Ltmp4, $4  }
0x71: {  	_ = 	snop  }
0x72: {  	[tilespmem:v7+s17+$0x0] =	vst.idx.msk @!p0 vm0, v5  }
0x73: {  	[tilespmem:s15+$0x9E80] =	vst.msk @!p0 vm0, v6  }
0x74: {  	[tilespmem:s15+$0xDE00] =	vst.msk @!p0 vm0, v4  }
0x75: {  	v5 =	vld.msk [tilespmem:$0x9E80 ss:$0x0], $0xffff;
	s14 =	sadd.s32 $0x0, s13  }
0x76: {  	v4 =	vld.msk [tilespmem:$0xDE00 ss:$0x0], $0xffff;
	s15 =	sand.u32 $0xFFFFFFF0, s14  }
0x77: {  	v7 =	vld [tilespmem:s15+$0x9E80]  }
0x78: {  	v8 =	vld [tilespmem:s15+$0xDE00];
	_ =	sdelay $0x1  }
0x79: {  	v6 =	vmov s13;
	v9 =	vor.u32 s15, v3  }
0x7a: {  	vm0 =	vlt.s32 v9, v6  }
0x7b: {  	s31 =	sadd.s32 $0x10, s13;
	v7 =	vsel vm0, v7, v5  }
0x7c: {  	s16 =	simm.s32 $0x20;
	s14 =	sand.u32 $0xFFFFFFF0, s31;
	[tilespmem:s15+$0x9E80] =	vst v7;
	v7 =	vsel vm0, v8, v4  }
.LBB2_7:
0x7d: {  	p0 =	sne.s32 s16, $0x80;
	v8 =	vld [tilespmem:s14+$0x9E80];
	[tilespmem:s15+$0xDE00] =	vst v7;
	s15 =	smov.u32 s14  }
0x7e: {  	v7 =	vld [tilespmem:s15+$0xDE00]  }
.Ltmp5:
0x7f: {  	(pc) =	sbr.rel @p0 .LBB2_7-.Ltmp5, $4  }
0x80: {  	v9 =	vor.u32 s15, v3  }
0x81: {  	vm0 =	vlt.s32 v9, v6  }
0x82: {  	s14 =	sadd.s32 s16, s13;
	v8 =	vsel vm0, v8, v5  }
0x83: {  	s16 =	sadd.s32 $0x10, s16;
	s14 =	sand.u32 $0xFFFFFFF0, s14;
	[tilespmem:s15+$0x9E80] =	vst v8;
	v7 =	vsel vm0, v7, v4  }
0x84: {  	s13 =	sadd.s32 $0x7F, s13  }
0x85: {  	s30 =	sand.u32 $0x7F, s13  }
0x86: {  	s31 =	sshra.s32 s13, $0x1F;
	p1 =	slt.s32 s13, $0x0;
	p0 =	sne.s32 s30, $0x0  }
0x87: {  	v8 =	vld [tilespmem:s14+$0x9E80];
	[tilespmem:s15+$0xDE00] =	vst v7;
	s15 =	sshrl.u32 s31, $0x19;
	p0 =	por !p1, !p0  }
0x88: {  	s13 =	sadd.s32 s15, s13;
	s15 =	simm.s32 $0x1;
	p0 =	por !p0, !p0  }
0x89: {  	s13 =	sshra.s32 s13, $0x7;
	s15 =	simm.s32 @!p0 $0x0  }
0x8a: {  	v7 =	vld [tilespmem:s14+$0xDE00];
	s13 =	ssub.s32 s13, s15  }
0x8b: {  	p0 =	slt.s32 s13, $0x1  }
.Ltmp6:
0x8c: {  	v9 =	vor.u32 s14, v3;
	(pc) =	sbr.rel @p0 .LBB2_17-.Ltmp6, $4  }
0x8d: {  	vm0 =	vlt.s32 v9, v6  }
0x8e: {  	v5 =	vsel vm0, v8, v5  }
0x8f: {  	[tilespmem:s14+$0x9E80] =	vst v5;
	v4 =	vsel vm0, v7, v4  }
0x90: {  	[tilespmem:s14+$0xDE00] =	vst v4  }
0x91: {  	p0 =	sne.s32 s13, $0x1  }
.Ltmp7:
0x92: {  	_ = 	snop;
	(pc) =	sbr.rel @!p0 .LBB2_10-.Ltmp7, $3  }
0x93: {  	_ =	sdelay $0x1  }
0x94: {  	s15 =	simm.s32 $0xDE40  }
0x95: {  	s14 =	simm.s32 $0x11DC0;
	s13 =	sadd.s32 $0xFFFFFFFF, s13;
	p1 =	por $0x0, $0x0;
	v4 =	vld [tilespmem:s15+$0xFFFFFFC0]  }
0x96: {  	_ =	sdelay $0x3  }
0x97: {  	[tilespmem:s14+$0xFFFFFFC0] =	vst v4  }
0x98: {  	v4 =	vld [tilespmem:s15+$0xFFFFFFD0];
	_ =	sdelay $0x4  }
0x99: {  	[tilespmem:s14+$0xFFFFFFD0] =	vst v4  }
0x9a: {  	v4 =	vld [tilespmem:s15+$0xFFFFFFE0];
	_ =	sdelay $0x4  }
0x9b: {  	[tilespmem:s14+$0xFFFFFFE0] =	vst v4  }
0x9c: {  	v4 =	vld [tilespmem:s15+$0xFFFFFFF0];
	_ =	sdelay $0x4  }
0x9d: {  	[tilespmem:s14+$0xFFFFFFF0] =	vst v4  }
0x9e: {  	v4 =	vld [tilespmem:s15+$0x0];
	_ =	sdelay $0x4  }
0x9f: {  	[tilespmem:s14+$0x0] =	vst v4  }
0xa0: {  	v4 =	vld [tilespmem:s15+$0x10];
	_ =	sdelay $0x4  }
0xa1: {  	[tilespmem:s14+$0x10] =	vst v4  }
0xa2: {  	v4 =	vld [tilespmem:s15+$0x20];
	_ =	sdelay $0x4  }
0xa3: {  	[tilespmem:s14+$0x20] =	vst v4  }
0xa4: {  	v4 =	vld [tilespmem:s15+$0x30]  }
0xa5: {  	p2 =	sne.s32 s13, $0x1  }
.Ltmp8:
0xa6: {  	_ = 	snop;
	(pc) =	sbr.rel @!p2 .LBB2_12-.Ltmp8, $3  }
0xa7: {  	_ =	sdelay $0x1  }
0xa8: {  	s15 =	simm.s32 $0xDEC0;
	[tilespmem:s14+$0x30] =	vst v4  }
0xa9: {  	s17 =	sadd.s32 $0xFFFFFFFF, s13;
	p1 =	por $0x1, $0x1;
	s16 =	simm.s32 $0x11DC0;
	v4 =	vld [tilespmem:s15+$0xFFFFFFC0]  }
.LBB2_13:
0xaa: {  	p2 =	sne.s32 s17, $0x1;
	_ =	sdelay $0x2  }
0xab: {  	s16 =	sadd.s32 $0x80, s16  }
0xac: {  	[tilespmem:s16+$0xFFFFFFC0] =	vst v4  }
0xad: {  	v4 =	vld [tilespmem:s15+$0xFFFFFFD0];
	_ =	sdelay $0x4  }
0xae: {  	[tilespmem:s16+$0xFFFFFFD0] =	vst v4  }
0xaf: {  	v4 =	vld [tilespmem:s15+$0xFFFFFFE0];
	_ =	sdelay $0x4  }
0xb0: {  	[tilespmem:s16+$0xFFFFFFE0] =	vst v4  }
0xb1: {  	v4 =	vld [tilespmem:s15+$0xFFFFFFF0];
	_ =	sdelay $0x4  }
0xb2: {  	[tilespmem:s16+$0xFFFFFFF0] =	vst v4  }
0xb3: {  	v4 =	vld [tilespmem:s15+$0x0];
	_ =	sdelay $0x4  }
0xb4: {  	[tilespmem:s16+$0x0] =	vst v4  }
0xb5: {  	v4 =	vld [tilespmem:s15+$0x10];
	_ =	sdelay $0x4  }
0xb6: {  	[tilespmem:s16+$0x10] =	vst v4  }
0xb7: {  	v4 =	vld [tilespmem:s15+$0x20];
	_ =	sdelay $0x4  }
0xb8: {  	[tilespmem:s16+$0x20] =	vst v4  }
0xb9: {  	v4 =	vld [tilespmem:s15+$0x30];
	_ =	sdelay $0x1  }
.Ltmp9:
0xba: {  	(pc) =	sbr.rel @p2 .LBB2_13-.Ltmp9, $3  }
0xbb: {  	_ =	sdelay $0x1  }
0xbc: {  	s15 =	sadd.s32 $0x80, s15;
	[tilespmem:s16+$0x30] =	vst v4  }
0xbd: {  	s17 =	sadd.s32 $0xFFFFFFFF, s17;
	v4 =	vld [tilespmem:s15+$0xFFFFFFC0]  }
.LBB2_14:
0xbe: {  	_ =	sdelay $0x1  }
0xbf: {  	s16 =	sadd.s32 @p1 $0x80, s16  }
0xc0: {  	s14 =	smov.u32 @p1 s16  }
0xc1: {  	[tilespmem:s14+$0xFFFFFFC0] =	vst v4  }
0xc2: {  	v4 =	vld [tilespmem:s15+$0xFFFFFFD0];
	_ =	sdelay $0x4  }
0xc3: {  	[tilespmem:s14+$0xFFFFFFD0] =	vst v4  }
0xc4: {  	v4 =	vld [tilespmem:s15+$0xFFFFFFE0];
	_ =	sdelay $0x4  }
0xc5: {  	[tilespmem:s14+$0xFFFFFFE0] =	vst v4  }
0xc6: {  	v4 =	vld [tilespmem:s15+$0xFFFFFFF0];
	_ =	sdelay $0x4  }
0xc7: {  	[tilespmem:s14+$0xFFFFFFF0] =	vst v4  }
0xc8: {  	v4 =	vld [tilespmem:s15+$0x0];
	_ =	sdelay $0x4  }
0xc9: {  	[tilespmem:s14+$0x0] =	vst v4  }
0xca: {  	v4 =	vld [tilespmem:s15+$0x10];
	_ =	sdelay $0x4  }
0xcb: {  	[tilespmem:s14+$0x10] =	vst v4  }
0xcc: {  	v4 =	vld [tilespmem:s15+$0x20];
	_ =	sdelay $0x4  }
0xcd: {  	[tilespmem:s14+$0x20] =	vst v4  }
0xce: {  	v4 =	vld [tilespmem:s15+$0x30];
	_ =	sdelay $0x4  }
0xcf: {  	[tilespmem:s14+$0x30] =	vst v4;
	s14 =	simm.s32 $0x9E80  }
0xd0: {  	[tilespmem:s10], [sflag:$0x1] =	stream.indirect.gather [hbm4b:s1+s9], $0x80, s14, s9, $0xb8;
	[tilespmem:$0x19E00] =	vst v63  }
0xd1: {  	_ =	swait.ge [sflag:s8], $0x4000  }
.Ltmp10:
0xd2: {  	[sflag:s8] =	ssyncset.done $0x0;
	(pc) =	sbr.rel @!p0 .LBB2_16-.Ltmp10, $4  }
0xd3: {  	s15 =	simm.s32 $0x11D80;
	[sflag:s8] =	ssyncadd.s32 $0xFFFFC000  }
0xd4: {  	[hbm4b:s4+s9] =	stream.indirect.scatter [tilespmem:s10], [sflag:$0x2], $0x80, s15, s9, $0xb8;
	[tilespmem:$0x19E00] =	vst v63  }
0xd5: {  	_ =	swait.ge [sflag:s11], $0x4000  }
0xd6: {  	[sflag:s11] =	ssyncset.done $0x0  }
.LBB2_15:
0xd7: {  	[sflag:s11] =	ssyncadd.s32 $0xFFFFC000;
	s15 =	sadd.s32 $0x80, s15;
	s14 =	sadd.s32 $0x80, s14  }
0xd8: {  	[tilespmem:s10], [sflag:$0x1] =	stream.indirect.gather [hbm4b:s1+s9], $0x80, s14, s9, $0xb8;
	[tilespmem:$0x19E00] =	vst v63  }
0xd9: {  	p0 =	sne.s32 s13, $0x1;
	s13 =	sadd.s32 $0xFFFFFFFF, s13;
	_ =	swait.ge [sflag:s8], $0x4000  }
.Ltmp11:
0xda: {  	[sflag:s8] =	ssyncset.done $0x0;
	(pc) =	sbr.rel @p0 .LBB2_15-.Ltmp11, $4  }
0xdb: {  	[sflag:s8] =	ssyncadd.s32 $0xFFFFC000  }
0xdc: {  	[hbm4b:s4+s9] =	stream.indirect.scatter [tilespmem:s10], [sflag:$0x2], $0x80, s15, s9, $0xb8;
	[tilespmem:$0x19E00] =	vst v63  }
0xdd: {  	_ =	swait.ge [sflag:s11], $0x4000  }
0xde: {  	[sflag:s11] =	ssyncset.done $0x0  }
.Ltmp12:
0xdf: {  	_ = 	snop;
	(pc) =	sbr.rel .LBB2_16-.Ltmp12, $1  }
0xe0: {  	_ =	sdelay $0x3  }
.LBB2_10:
.Ltmp13:
0xe1: {  	(pc) =	sbr.rel .LBB2_14-.Ltmp13, $2  }
0xe2: {  	_ =	sdelay $0x2  }
0xe3: {  	s16 =	simm.s32 $0x11DC0  }
.LBB2_12:
.Ltmp14:
0xe4: {  	(pc) =	sbr.rel .LBB2_14-.Ltmp14, $2  }
0xe5: {  	_ =	sdelay $0x2  }
0xe6: {  	s16 =	simm.s32 $0x11DC0  }
.LBB2_18:
0xe7: {  	_ =	sfence.sel $0x180000  }
0xe8: {  	[bflag:$0x0] =	sbarrier.arrive $0xFFFF  }
0xe9: {  	p0 =	sne.s32 s2, $0x0;
	_ =	strace $0x90000047  }
0xea: {  	s0 =	sadd.s32 @!p0 $0x100000, s0;
	[bflag:$0x2] =	sbarrier.arrive $0xFFFF  }
0xeb: {  	[sflag:s0] =	ssyncadd.tile.s32 @!p0 $0x1;
	_ =	shalt  }
.Lfunc_end2:
_tile_overlayer_lowered:
.L_overlay_start_2:
0xec: {  	(tag) =	ssettag $0x2  }
0xed: {  	s0 =	rddreg [dreg:$0x0];
	s2 =	stileid.u32  }
0xee: {  	s1 =	rddreg [dreg:$0x1];
	p0 =	sne.s32 s2, $0x0  }
0xef: {  	s3 =	rddreg [dreg:$0x2];
	[bflag:$0x3] =	sbarrier.arrive $0xFFFF;
	s2 =	simm.s32 @!p0 $0x1C03  }
0xf0: {  	[timem:s3], [sflag:s2] =	dma.local @!p0 [hbm:s0], s1  }
0xf1: {  	s0 =	simm.s32 @!p0 $0x3  }
0xf2: {  	_ =	swait.ge @!p0 [sflag:s0], s1  }
0xf3: {  	s1 =	ssub.s32 @!p0 $0x0, s1;
	[sflag:s0] =	ssyncset.done @!p0 $0x0  }
0xf4: {  	[sflag:s0] =	ssyncadd.s32 @!p0 s1  }
0xf5: {  	[bflag:$0x3] =	sbarrier.arrive $0xFFFF  }
0xf6: {  	_ =	shalt  }

// kernel: sparse-core-data-format-call.cloned.1.call-start
scs
called_computation_lowered:
.L_overlay_start_0:
0x0: {  	s2 =	sld [smem:$0x3FD9]  }
0x1: {  	s3 =	sld [smem:$0x3FFE];
	_ =	sdelay $0x1  }
0x2: {  	s1 =	srdreg.scid  }
0x3: {  	s0 =	sand.u32 $0x1, s1  }
0x4: {  	s18 =	sshll.u32 s0, $0xA;
	s2 =	sadd.s32 s3, s2  }
0x5: {  	s2 =	sadd.s32 s2, s18  }
0x6: {  	[smem:$0x3FC0] =	sst s2  }
0x7: {  	_ = 	snop  }
0x8: {  	s2 =	sld [smem:$0x3FD0];
	(tm) =	ssettm $0x1  }
0x9: {  	s19 =	sld [smem:$0x3FFB];
	_ =	sdelay $0x3  }
0xa: {  	_ =	strace s19  }
0xb: {  	s3 =	sld [smem:$0x3FFC];
	_ =	sdelay $0x3  }
0xc: {  	_ =	strace s3  }
0xd: {  	s3 =	sld [smem:$0x3FFD];
	_ =	sdelay $0x3  }
0xe: {  	_ =	strace s3  }
0xf: {  	_ =	strace $0x8FFFFFFF  }
0x10: {  	s20 =	sld [smem:$0x3FDB];
	_ =	sdelay $0x1  }
0x11: {  	s4 =	simm.s32 $_scs_section_size  }
0x12: {  	s5 =	simm.s32 $_size__tile_overlayer_lowered;
	s6 =	simm.s32 $_tile_overlayer_lowered  }
0x13: {  	s23 =	simm.s32 $0x1BFF;
	s22 =	sshll.u32 s6, $0x1;
	s3 =	sadd.s32 s4, s20  }
0x14: {  	s7 =	simm.s32 $0x0;
	s21 =	sshll.u32 s5, $0x1;
	s5 =	sadd.s32 s22, s3  }
0x15: {  	[timem:s7], [sflag:s23] =	dma.local [hbm:s5], s21  }
0x16: {  	_ =	swait.ge [sflag:s23], s21  }
0x17: {  	s4 =	ssub.s32 $0x0, s21;
	[sflag:s23] =	ssyncset.done $0x0  }
0x18: {  	[sflag:s23] =	ssyncadd.s32 s4;
	_ =	sdelay $0x1  }
0x19: {  	s24 =	simm.s32 $0x1B8B  }
0x1a: {  	_ =	swait.ge [sflag:s24], $0x1  }
0x1b: {  	[sflag:s24] =	ssyncset.done $0x0  }
0x1c: {  	s26 =	simm.s32 $0x1B8E;
	s25 =	sld [smem:$0x3FFE];
	[sflag:s24] =	ssyncadd.s32 $0xFFFFFFFF  }
0x1d: {  	s27 =	simm.s32 $execute0_lowered;
	[smem:$0x3FD2] =	sst s26  }
0x1e: {  	s5 =	sshll.u32 s27, $0x1;
	_ =	strace $0x80000049;
	[dreg:$0x1] =	wrdreg $0xFFFFFFFF  }
0x1f: {  	s28 =	simm.s32 $_size_execute0_lowered;
	s3 =	sadd.s32 s3, s5;
	[dreg:$0x0] =	wrdreg $0x0  }
0x20: {  	s5 =	sshll.u32 s28, $0x1;
	[dreg:$0x2] =	wrdreg s3  }
0x21: {  	[dreg:$0x3] =	wrdreg s5  }
0x22: {  	[dreg:$0x4] =	wrdreg $0xC0  }
0x23: {  	_ =	task [dreg:s7], $0x5FFFF  }
0x24: {  	[dreg:$0x1] =	wrdreg $0xFFFFFFFF  }
0x25: {  	[dreg:$0x0] =	wrdreg $0x60  }
0x26: {  	[dreg:$0x2] =	wrdreg s25  }
0x27: {  	[dreg:$0x3] =	wrdreg s2  }
0x28: {  	[dreg:$0x4] =	wrdreg $0x9  }
0x29: {  	_ =	task.clear_ibuf [dreg:s7], $0x5FFFF;
	_ =	strace $0x90000049  }
0x2a: {  	s29 =	simm.s32 $0x9;
	_ =	strace $0x8000004B  }
0x2b: {  	_ =	swait.ge [sflag:s29], $0x1  }
0x2c: {  	[sflag:s29] =	ssyncadd.s32 $0xFFFFFFFF  }
0x2d: {  	_ =	strace $0x9000004B  }
0x2e: {  	_ =	sfence  }
0x2f: {  	s30 =	sld [smem:$0x0];
	_ =	sdelay $0x2  }
0x30: {  	s31 =	sshll.u32 s1, $0xD;
	s1 =	sshrl.u32 s1, $0x2  }
0x31: {  	s3 =	sand.u32 $0x4000, s31;
	s1 =	sadd.s32 s1, s30  }
0x32: {  	s0 =	sor.u32 s3, s0;
	s1 =	sshll.u32 s1, $0x11  }
0x33: {  	s0 =	sor.u32 s1, s0  }
0x34: {  	s0 =	sadd.s32 $0x8F2B, s0  }
0x35: {  	[sflag:s0] =	ssyncadd.remote.s32 $0x1  }
0x36: {  	_ =	sfence.sel $0xFFFF  }
0x37: {  	[dreg:$0x0] =	wrdreg $0xFFFFFFFF;
	(pc) =	sbr.abs _section_cstart, $3  }
0x38: {  	[dreg:$0x1] =	wrdreg $0xFFFFFFFF  }
0x39: {  	_ =	task.clear_ibuf [dreg:s7], $0x2FFFF;
	_ =	strace $0x9FFFFFFF  }
0x3a: {  	(tm) =	ssettm $0x7FFFFFFF  }
0x3b: {  	_ =	shalt  }
tec
execute0_lowered:
.L_overlay_start_1:
0x0: {  	(tag) =	ssettag $0x1  }
0x1: {  	s0 =	stileid.u32  }
0x2: {  	s1 =	srdreg.scid;
	s5 =	rddreg [dreg:$0x0]  }
0x3: {  	s2 =	rddreg [dreg:$0x1];
	s10 =	simm.s32 $0x2;
	s16 =	simm.s32 $0x0  }
0x4: {  	p0 =	por $0x0, $0x0;
	s11 =	simm.s32 $0x400;
	s12 =	simm.s32 $0x1000  }
0x5: {  	s17 =	simm.s32 $0x0;
	s18 =	simm.s32 $0x0;
	s15 =	simm.s32 $0x0  }
0x6: {  	s3 =	sshll.u32 s0, $0x4;
	s1 =	sshll.u32 s1, $0x8;
	s4 =	sand.u32 $0x1, s0  }
0x7: {  	s7 =	sshrl.u32 s0, $0x1;
	s3 =	sor.u32 s3, s1;
	s1 =	rddreg [dreg:$0x2]  }
0x8: {  	_ =	strace $0x8000004A;
	s30 =	ssub.s32 $0x2, s4;
	s3 =	sand.u32 $0x180, s3  }
0x9: {  	s7 =	sand.u32 $0x3, s7;
	s8 =	sshrl.u32 s30, $0x1;
	s6 =	sshll.u32 s3, $0x4  }
.Ltmp0:
0xa: {  	s9 =	sadd.s32 s6, s5;
	s6 =	sand.u32 $0x1, s30;
	(pc) =	sbr.rel .LBB1_1-.Ltmp0, $4  }
0xb: {  	s14 =	smov.u32 s4;
	s13 =	smov.u32 s7;
	s6 =	sadd.s32 s6, s8  }
0xc: {  	s31 =	smax.u32 s3, $0x178;
	s5 =	simm.s32 $0x1;
	s6 =	smul.u32 $0x7E, s6  }
0xd: {  	[sflag:s5] =	ssyncpa.u1 $0x0;
	s8 =	sshll.u32 s31, $0x6;
	s9 =	sadd.s32 $0x1400, s9  }
0xe: {  	[sflag:s10] =	ssyncpa.u1 $0x0;
	s8 =	sxor.u32 $0x7E00, s8;
	s10 =	sor.u32 $0x1, s6  }
.LBB1_4:
0xf: {  	s18 =	smul.u32 $0x1F8000, s18;
	_ =	sdelay $0x1  }
0x10: {  	[tilespmem:s21+$0x810 ss:$0x81] =	vst.msk $0xffff, v2;
	s17 =	sshll.u32 s17, $0xC;
	s18 =	sadd.s32 s2, s18  }
0x11: {  	[tilespmem:s21+$0x1020 ss:$0x81] =	vst.msk $0xffff, v0;
	s17 =	sadd.s32 s17, s18  }
0x12: {  	[tilespmem:s21+$0x0 ss:$0x81] =	vst.msk $0xffff, v1;
	s16 =	sadd.s32 s16, s17  }
0x13: {  	[hbm4b:s16+s11] =	stream.strided.scatter [tilespmem:s19], [sflag:$0x2], $0x2000, s12, s11, $0x20;
	[tilespmem:$0x8080] =	vst v63  }
.LBB1_5:
0x14: {  	s19 =	sadd.s32 $0x4, s13  }
0x15: {  	s17 =	sadd.s32 $0x2, s14;
	s20 =	smov.u32 s14;
	p2 =	sgt.s32 s19, $0x1F7  }
0x16: {  	s20 =	smov.u32 @p2 s17  }
0x17: {  	s19 =	smov.u32 @p2 s7;
	p2 =	sgt.s32 s20, $0x1  }
0x18: {  	s20 =	smov.u32 @p2 s4;
	p2 =	sne.s32 s15, s10  }
.Ltmp1:
0x19: {  	p1 =	slt.u32 s15, $0x2;
	(pc) =	sbr.rel @!p2 .LBB1_6-.Ltmp1, $4  }
0x1a: {  	s18 =	smov.u32 s14;
	s16 =	simm.s32 @!p1 $0x2  }
0x1b: {  	p0 =	por !p0, !p0;
	_ =	swait.ge @!p1 [sflag:s16], $0x2000;
	s17 =	smov.u32 s13  }
0x1c: {  	[sflag:s16] =	ssyncset.done @!p1 $0x0;
	s13 =	smov.u32 s19;
	s15 =	sadd.s32 $0x1, s15  }
0x1d: {  	[sflag:s16] =	ssyncadd.s32 @!p1 $0xFFFFE000;
	s16 =	smov.u32 s3;
	s14 =	smov.u32 s20  }
.LBB1_1:
0x1e: {  	p1 =	sge.u32 s15, s6  }
0x1f: {  	s19 =	smov.u32 s14;
	p2 =	sgt.s32 @!p1 s14, $0x1;
	s20 =	sshra.s32 @!p1 s14, $0x1F  }
0x20: {  	s21 =	smov.u32 s13;
	p2 =	por !p2, p1;
	s20 =	sand.u32 @!p1 s20, s14  }
0x21: {  	s19 =	simm.s32 @p2 $0x1;
	p2 =	sgt.s32 @!p1 s13, $0x1F7;
	s20 =	sxor.u32 @!p1 $0xFFFFFFFF, s20  }
0x22: {  	s22 =	sshra.s32 @!p1 s13, $0x1F;
	p2 =	por !p2, p1;
	s19 =	sadd.s32 @!p1 s20, s19  }
0x23: {  	s20 =	sand.u32 @!p1 s22, s13;
	s21 =	simm.s32 @p2 $0x1F7;
	p2 =	sgt.s32 @!p1 s19, $0x0  }
0x24: {  	s19 =	ssub.s32 @!p1 $0x1, s19;
	s20 =	ssub.s32 @!p1 s21, s20;
	p2 =	por !p2, p1  }
0x25: {  	s21 =	sadd.s32 @!p1 $0xFFFFFE09, s20;
	s19 =	simm.s32 @!p2 $0x0  }
0x26: {  	p2 =	sgt.s32 @!p1 s21, $0x0;
	s19 =	smul.u32 @!p1 s19, s8  }
0x27: {  	s20 =	ssub.s32 @!p1 $0x1F8, s20;
	s21 =	smul.u32 @!p1 $0x3E0400, s14;
	p2 =	por !p2, p1  }
0x28: {  	s31 =	sadd.s32 $0xFFFFFFFF, s15;
	s22 =	smul.u32 @!p1 $0x1F80, s13;
	s20 =	simm.s32 @!p2 $0x0  }
0x29: {  	s21 =	sadd.s32 @!p1 s21, s9;
	s19 =	smul.u32 @!p1 s20, s19;
	s20 =	sxor.u32 @!p1 $0xFFFFFFFF, s15  }
0x2a: {  	s23 =	simm.s32 @!p1 $0x80;
	s21 =	sadd.s32 @!p1 s22, s21;
	s20 =	sshll.u32 @!p1 s20, $0xD  }
0x2b: {  	s22 =	simm.s32 @!p1 $0x40;
	s20 =	sand.u32 @!p1 $0x2000, s20;
	s19 =	sand.u32 @!p1 $0x3FFFFE00, s19  }
0x2c: {  	[tilespmem:s20], [sflag:$0x1] =	stream.strided.gather @!p1 [hbm4b:s21+s22], s19, s23, s22, $0x38;
	[tilespmem:$0x8080] =	vst v63  }
0x2d: {  	p1 =	sge.u32 s31, s6  }
.Ltmp2:
0x2e: {  	_ = 	snop;
	(pc) =	sbr.rel @p1 .LBB1_5-.Ltmp2, $1  }
0x2f: {  	_ =	sdelay $0x3  }
0x30: {  	s19 =	sshra.s32 s18, $0x1F  }
0x31: {  	p1 =	sgt.s32 s18, $0x1;
	s20 =	smov.u32 s18;
	s19 =	sand.u32 s19, s18  }
0x32: {  	s21 =	sshra.s32 s17, $0x1F;
	s20 =	simm.s32 @!p1 $0x1;
	s19 =	sxor.u32 $0xFFFFFFFF, s19  }
0x33: {  	s22 =	smov.u32 s16;
	p1 =	sgt.s32 s17, $0x1F7;
	s19 =	sadd.s32 s19, s20  }
0x34: {  	s21 =	sand.u32 s21, s17;
	s20 =	smov.u32 s17;
	p2 =	sgt.s32 s19, $0x0  }
0x35: {  	s20 =	simm.s32 @!p1 $0x1F7;
	p1 =	sgt.s32 s16, $0x178;
	s19 =	sshll.u32 s19, $0x6  }
0x36: {  	s20 =	ssub.s32 s20, s21;
	s22 =	simm.s32 @!p1 $0x178;
	s19 =	ssub.s32 $0x40, s19  }
0x37: {  	s21 =	sadd.s32 $0xFFFFFE09, s20;
	s22 =	ssub.s32 $0x1F8, s22;
	s19 =	simm.s32 @p2 $0x0  }
0x38: {  	s20 =	ssub.s32 $0x1F8, s20;
	p1 =	sgt.s32 s21, $0x0;
	s19 =	smul.u32 s22, s19  }
0x39: {  	s20 =	simm.s32 @p1 $0x0  }
0x3a: {  	s19 =	smul.u32 s20, s19;
	_ =	sdelay $0x1  }
0x3b: {  	s20 =	simm.s32 $0x1;
	s19 =	sand.u32 $0x3FFFFFC0, s19  }
0x3c: {  	s20 =	simm.s32 @!p0 $0x0;
	_ =	swait.ge [sflag:s5], s19  }
0x3d: {  	s27 =	sshll.u32 s20, $0xD;
	s19 =	ssub.s32 $0x0, s19;
	[sflag:s5] =	ssyncset.done $0x0  }
0x3e: {  	s23 =	sor.u32 $0x20, s27;
	[sflag:s5] =	ssyncadd.s32 s19  }
0x3f: {  	s28 =	smul.u32 $0x8100, s20;
	v3 =	vld [tilespmem:s23+$0x10]  }
0x40: {  	s29 =	sand.u32 $0x1, s15;
	v2 =	vld [tilespmem:s23+$0xFFFFFFF0]  }
0x41: {  	s30 =	smul.u32 $0x8100, s29;
	s19 =	sshrl.u32 s28, $0x2;
	v0 =	vld [tilespmem:s23+$0x0]  }
0x42: {  	s20 =	sor.u32 $0x4000, s19;
	v1 =	vld [tilespmem:s23+$0xFFFFFFE0]  }
0x43: {  	s31 =	sshrl.u32 s30, $0x2;
	s21 =	sadd.s32 $0x0, s20  }
0x44: {  	s22 =	simm.s32 $0x4;
	s19 =	sor.u32 $0x4000, s31;
	s23 =	sadd.s32 $0x40, s23;
	[tilespmem:s21+$0x1830 ss:$0x81] =	vst.msk $0xffff, v3  }
.LBB1_3:
0x45: {  	v3 =	vld [tilespmem:s23+$0x10];
	p1 =	sne.s32 s22, $0x1FC;
	[tilespmem:s21+$0x810 ss:$0x81] =	vst.msk $0xffff, v2;
	s24 =	smov.u32 s22;
	s22 =	sadd.s32 $0x4, s22  }
.Ltmp3:
0x46: {  	v2 =	vld [tilespmem:s23+$0xFFFFFFF0];
	[tilespmem:s21+$0x1020 ss:$0x81] =	vst.msk $0xffff, v0;
	(pc) =	sbr.rel @p1 .LBB1_3-.Ltmp3, $4  }
0x47: {  	v0 =	vld [tilespmem:s23+$0x0];
	[tilespmem:s21+$0x0 ss:$0x81] =	vst.msk $0xffff, v1  }
0x48: {  	s21 =	sshra.s32 s24, $0x2;
	v1 =	vld [tilespmem:s23+$0xFFFFFFE0]  }
0x49: {  	s21 =	sadd.s32 s21, s20  }
0x4a: {  	s23 =	sadd.s32 $0x40, s23;
	[tilespmem:s21+$0x1830 ss:$0x81] =	vst.msk $0xffff, v3  }
.Ltmp4:
0x4b: {  	_ = 	snop;
	(pc) =	sbr.rel .LBB1_4-.Ltmp4, $1  }
0x4c: {  	_ =	sdelay $0x3  }
.LBB1_6:
0x4d: {  	_ =	sfence.sel $0x180000  }
0x4e: {  	s2 =	simm.s32 $0x1;
	[bflag:$0x0] =	sbarrier.arrive $0xFFFF  }
0x4f: {  	s31 =	simm.s32 $0x2;
	[sflag:s2] =	ssyncpa.u1 $0x1  }
0x50: {  	[sflag:s31] =	ssyncpa.u1 $0x1  }
0x51: {  	p0 =	sne.s32 s0, $0x0;
	_ =	strace $0x9000004A  }
0x52: {  	s0 =	sadd.s32 @!p0 $0x100000, s1;
	[bflag:$0x2] =	sbarrier.arrive $0xFFFF  }
0x53: {  	[sflag:s0] =	ssyncadd.tile.s32 @!p0 $0x1;
	_ =	shalt  }
.Lfunc_end1:
_tile_overlayer_lowered:
.L_overlay_start_2:
0x54: {  	(tag) =	ssettag $0x2  }
0x55: {  	s0 =	rddreg [dreg:$0x0];
	s2 =	stileid.u32  }
0x56: {  	s1 =	rddreg [dreg:$0x1];
	p0 =	sne.s32 s2, $0x0  }
0x57: {  	s3 =	rddreg [dreg:$0x2];
	[bflag:$0x3] =	sbarrier.arrive $0xFFFF;
	s2 =	simm.s32 @!p0 $0x1C01  }
0x58: {  	[timem:s3], [sflag:s2] =	dma.local @!p0 [hbm:s0], s1  }
0x59: {  	s0 =	simm.s32 @!p0 $0x1  }
0x5a: {  	_ =	swait.ge @!p0 [sflag:s0], s1  }
0x5b: {  	s1 =	ssub.s32 @!p0 $0x0, s1;
	[sflag:s0] =	ssyncset.done @!p0 $0x0  }
0x5c: {  	[sflag:s0] =	ssyncadd.s32 @!p0 s1  }
0x5d: {  	[bflag:$0x3] =	sbarrier.arrive $0xFFFF  }
0x5e: {  	_ =	shalt  }

</sc_bundles>
